<compile_context>
chip_gen: v7x
topology: tpu7x:2x2x1
jax: 0.10.2.dev20260603
libtpu: 0.0.44.dev20260713+nightly
codegen_flags: <defaults>
</compile_context>

<pallas_src>
import functools

import jax
import jax.numpy as jnp
from jax import lax
from jax.experimental import pallas as pl
from jax.experimental.pallas import tpu as pltpu
from jax.experimental.pallas import tpu_sc as plsc

NUM_B = 4096
NUM_T = 200
NUM_TOKENS = NUM_B * NUM_T
DIM = 64
NUM_WORKERS = 32
PER_WORKER = NUM_TOKENS // NUM_WORKERS
CHUNK = 128
NUM_CHUNKS = PER_WORKER // CHUNK
NBUF = 4
SUPER = NUM_CHUNKS // (2 * NBUF)


def _embedding_gather_call():
    mesh = plsc.VectorSubcoreMesh(core_axis_name="c", subcore_axis_name="s")

    @functools.partial(
        pl.kernel,
        mesh=mesh,
        out_type=jax.ShapeDtypeStruct((NUM_TOKENS, 2 * DIM), jnp.float32),
        compiler_params=pltpu.CompilerParams(use_tc_tiling_on_sc=False),
        scratch_types=(
            [pltpu.VMEM((NUM_CHUNKS, CHUNK), jnp.int32)]
            + [pltpu.VMEM((CHUNK, DIM), jnp.float32) for _ in range(2 * NBUF)]
            + [pltpu.SemaphoreType.DMA for _ in range(4)]
        ),
    )
    def gather_kernel(idx_hbm, table_hbm, out_hbm, idx_all, *bufs_and_sems):
        rows = bufs_and_sems[: 2 * NBUF]
        gsem_a, ssem_a, gsem_b, ssem_b = bufs_and_sems[2 * NBUF:]
        rows_a, rows_b = rows[:NBUF], rows[NBUF:]

        wid = lax.axis_index("s") * 2 + lax.axis_index("c")
        base = wid * PER_WORKER
        crow = wid * NUM_CHUNKS

        pltpu.sync_copy(idx_hbm.at[pl.ds(crow, NUM_CHUNKS)], idx_all)

        def start_gathers(ci, bank_rows, gsem):
            return [
                pltpu.async_copy(
                    table_hbm.at[idx_all.at[ci + b]], bank_rows[b], gsem)
                for b in range(NBUF)
            ]

        def start_stores(ci, bank_rows, ssem):
            for b in range(NBUF):
                off = base + (ci + b) * CHUNK
                pltpu.async_copy(
                    bank_rows[b],
                    out_hbm.at[pl.ds(off, CHUNK), pl.ds(0, DIM)], ssem)

        def drain_stores(bank_rows, ssem):
            for b in range(NBUF):
                pltpu.make_async_copy(
                    bank_rows[b],
                    out_hbm.at[pl.ds(base, CHUNK), pl.ds(0, DIM)], ssem).wait()

        def body(s, carry):
            ci_a = s * 2 * NBUF
            ci_b = ci_a + NBUF

            @pl.when(s > 0)
            def _():
                drain_stores(rows_a, ssem_a)

            ga = start_gathers(ci_a, rows_a, gsem_a)

            @pl.when(s > 0)
            def _():
                drain_stores(rows_b, ssem_b)

            for cp in ga:
                cp.wait()
            start_stores(ci_a, rows_a, ssem_a)

            gb = start_gathers(ci_b, rows_b, gsem_b)
            for cp in gb:
                cp.wait()
            start_stores(ci_b, rows_b, ssem_b)
            return carry

        lax.fori_loop(0, SUPER, body, 0)
        drain_stores(rows_a, ssem_a)
        drain_stores(rows_b, ssem_b)

    return gather_kernel


_gather = _embedding_gather_call()


def kernel(token_ids, weight):
    flat = token_ids.T.reshape(NUM_TOKENS // CHUNK, CHUNK).astype(jnp.int32)
    out = _gather(flat, weight)
    return out.reshape(NUM_T, NUM_B, 2 * DIM)[:, :, :DIM].transpose(1, 0, 2)

# --- scband reference (transcript-rebuilt; emitter-appended) ---
"""Pipeline reference for scband-embedding-77326591197206 (READ-ONLY COPY).

The authoritative reference and input builder live on the scoring server;
editing this copy changes nothing except your own understanding.
"""

import jax, jax.numpy as jnp
import numpy as np

NUM_EMBEDDINGS = 1000000
EMBEDDING_DIM = 64

def setup_inputs(seed: int = 0) -> dict:
    key = jax.random.key(seed)
    k_ids, k_w = jax.random.split(key)
    token_ids = jax.random.randint(k_ids, (4096, 200), 0, NUM_EMBEDDINGS, dtype=jnp.int64 if jax.config.jax_enable_x64 else jnp.int32)
    # truncated normal init, std=1.0, truncated at +/-3 std (matches nn.init.trunc_normal_)
    weight = jax.random.truncated_normal(k_w, -3.0, 3.0, (NUM_EMBEDDINGS, EMBEDDING_DIM), dtype=jnp.float32)
    return {"token_ids": token_ids, "weight": weight}

def reference(token_ids, weight):
    # Faithful to the torch module: per-(i,j) row lookup == vectorized gather
    embedding = jnp.take(weight, token_ids, axis=0)
    return embedding

if __name__ == "__main__":
    import jax
    _d = setup_inputs()
    print(jax.jit(kernel)(*tuple(_d.values())))

</pallas_src>

<mosaic_0001>
#map = affine_map<(d0, d1) -> (0, 0)>
module attributes {stable_mosaic.version = 14 : i64} {
  func.func @gather_kernel(%arg0: i32, %arg1: i32, %arg2: memref<6400x128xi32, #tpu.memory_space<hbm>>, %arg3: memref<1000000x64xf32, #tpu.memory_space<hbm>>, %arg4: memref<819200x128xf32, #tpu.memory_space<hbm>>, %arg5: memref<200x128xi32, #tpu.memory_space<vmem>>, %arg6: memref<128x64xf32, #tpu.memory_space<vmem>>, %arg7: memref<128x64xf32, #tpu.memory_space<vmem>>, %arg8: memref<128x64xf32, #tpu.memory_space<vmem>>, %arg9: memref<128x64xf32, #tpu.memory_space<vmem>>, %arg10: memref<128x64xf32, #tpu.memory_space<vmem>>, %arg11: memref<128x64xf32, #tpu.memory_space<vmem>>, %arg12: memref<128x64xf32, #tpu.memory_space<vmem>>, %arg13: memref<128x64xf32, #tpu.memory_space<vmem>>, %arg14: memref<!tpu.dma_semaphore, #tpu.memory_space<semaphore_mem>>, %arg15: memref<!tpu.dma_semaphore, #tpu.memory_space<semaphore_mem>>, %arg16: memref<!tpu.dma_semaphore, #tpu.memory_space<semaphore_mem>>, %arg17: memref<!tpu.dma_semaphore, #tpu.memory_space<semaphore_mem>>) attributes {dimension_semantics = [#tpu.dimension_semantics<core_parallel>, #tpu.dimension_semantics<subcore_parallel>], iteration_bounds = array<i64: 2, 16>, scalar_prefetch = 0 : i64, scratch_operands = 13 : i64, tpu.core_type = #tpu.core_type<sc_vector_subcore>, window_params = [{transform_indices = #map}, {transform_indices = #map}, {transform_indices = #map}]} {
    %mul3A = arith.constant 2 : i32
    %mul3A_0 = arith.muli %arg1, %mul3A : i32
    %add3A = arith.addi %mul3A_0, %arg0 : i32
    %mul3A_1 = arith.constant 25600 : i32
    %mul3A_2 = arith.muli %add3A, %mul3A_1 : i32
    %mul3A_3 = arith.constant 200 : i32
    %mul3A_4 = arith.muli %add3A, %mul3A_3 : i32
    "tpu.region"() ({
      %run_scoped3A = tpu.sem_alloc : memref<!tpu.dma_semaphore, #tpu.memory_space<semaphore_mem>>
      %dma_start3A = arith.constant 0 : i32
      %dma_start3A_41 = tpu.memref_slice %arg2[%mul3A_4, %dma_start3A] : memref<6400x128xi32, #tpu.memory_space<hbm>> -> memref<200x128xi32, #tpu.memory_space<hbm>>
      %dma_start3A_42 = arith.constant 0 : i32
      %dma_start3A_43 = tpu.memref_slice %arg2[%mul3A_4, %dma_start3A_42] : memref<6400x128xi32, #tpu.memory_space<hbm>> -> memref<200x128xi32, #tpu.memory_space<hbm>>
      tpu.enqueue_dma source(%dma_start3A_43 : memref<200x128xi32, #tpu.memory_space<hbm>>) target(%arg5 : memref<200x128xi32, #tpu.memory_space<vmem>>) target_semaphore(%run_scoped3A : memref<!tpu.dma_semaphore, #tpu.memory_space<semaphore_mem>>)
      %dma_wait3A_44 = arith.constant 0 : i32
      %dma_wait3A_45 = tpu.memref_slice %arg2[%mul3A_4, %dma_wait3A_44] : memref<6400x128xi32, #tpu.memory_space<hbm>> -> memref<200x128xi32, #tpu.memory_space<hbm>>
      %dma_wait3A_46 = arith.constant 0 : i32
      %dma_wait3A_47 = tpu.memref_slice %arg2[%mul3A_4, %dma_wait3A_46] : memref<6400x128xi32, #tpu.memory_space<hbm>> -> memref<200x128xi32, #tpu.memory_space<hbm>>
      tpu.wait_dma2 semaphore(%run_scoped3A : memref<!tpu.dma_semaphore, #tpu.memory_space<semaphore_mem>>) src(%dma_wait3A_47 : memref<200x128xi32, #tpu.memory_space<hbm>>) dst(%arg5 : memref<200x128xi32, #tpu.memory_space<vmem>>)
      tpu.yield
    }) : () -> ()
    %scan3A = arith.constant 0 : i32
    %scan3A_5 = arith.constant 0 : i32
    %scan3A_6 = arith.constant 25 : i32
    %scan3A_7 = arith.addi %scan3A_5, %scan3A_6 : i32
    %scan3A_8 = arith.constant 1 : i32
    scf.for %scan3A_41 = %scan3A_5 to %scan3A_7 step %scan3A_8  : i32 {
      %mul3A_42 = arith.constant 2 : i32
      %mul3A_43 = arith.muli %scan3A_41, %mul3A_42 : i32
      %mul3A_44 = arith.constant 4 : i32
      %mul3A_45 = arith.muli %mul3A_43, %mul3A_44 : i32
      %add3A_46 = arith.constant 4 : i32
      %add3A_47 = arith.addi %mul3A_45, %add3A_46 : i32
      %gt3A = arith.constant 0 : i32
      %gt3A_48 = arith.cmpi sgt, %scan3A_41, %gt3A : i32
      %convert_element_type3A = arith.extui %gt3A_48 : i1 to i32
      %cond3A = arith.constant 0 : i32
      %cond3A_49 = arith.cmpi ne, %convert_element_type3A, %cond3A : i32
      scf.if %cond3A_49 {
        %dma_wait3A_238 = arith.constant 0 : i32
        %dma_wait3A_239 = tpu.memref_slice %arg4[%mul3A_2, %dma_wait3A_238] : memref<819200x128xf32, #tpu.memory_space<hbm>> -> memref<128x64xf32, #tpu.memory_space<hbm>>
        %dma_wait3A_240 = arith.constant 0 : i32
        %dma_wait3A_241 = tpu.memref_slice %arg4[%mul3A_2, %dma_wait3A_240] : memref<819200x128xf32, #tpu.memory_space<hbm>> -> memref<128x64xf32, #tpu.memory_space<hbm>>
        tpu.wait_dma2 semaphore(%arg15 : memref<!tpu.dma_semaphore, #tpu.memory_space<semaphore_mem>>) src(%arg6 : memref<128x64xf32, #tpu.memory_space<vmem>>) dst(%dma_wait3A_241 : memref<128x64xf32, #tpu.memory_space<hbm>>)
        %dma_wait3A_242 = arith.constant 0 : i32
        %dma_wait3A_243 = tpu.memref_slice %arg4[%mul3A_2, %dma_wait3A_242] : memref<819200x128xf32, #tpu.memory_space<hbm>> -> memref<128x64xf32, #tpu.memory_space<hbm>>
        %dma_wait3A_244 = arith.constant 0 : i32
        %dma_wait3A_245 = tpu.memref_slice %arg4[%mul3A_2, %dma_wait3A_244] : memref<819200x128xf32, #tpu.memory_space<hbm>> -> memref<128x64xf32, #tpu.memory_space<hbm>>
        tpu.wait_dma2 semaphore(%arg15 : memref<!tpu.dma_semaphore, #tpu.memory_space<semaphore_mem>>) src(%arg7 : memref<128x64xf32, #tpu.memory_space<vmem>>) dst(%dma_wait3A_245 : memref<128x64xf32, #tpu.memory_space<hbm>>)
        %dma_wait3A_246 = arith.constant 0 : i32
        %dma_wait3A_247 = tpu.memref_slice %arg4[%mul3A_2, %dma_wait3A_246] : memref<819200x128xf32, #tpu.memory_space<hbm>> -> memref<128x64xf32, #tpu.memory_space<hbm>>
        %dma_wait3A_248 = arith.constant 0 : i32
        %dma_wait3A_249 = tpu.memref_slice %arg4[%mul3A_2, %dma_wait3A_248] : memref<819200x128xf32, #tpu.memory_space<hbm>> -> memref<128x64xf32, #tpu.memory_space<hbm>>
        tpu.wait_dma2 semaphore(%arg15 : memref<!tpu.dma_semaphore, #tpu.memory_space<semaphore_mem>>) src(%arg8 : memref<128x64xf32, #tpu.memory_space<vmem>>) dst(%dma_wait3A_249 : memref<128x64xf32, #tpu.memory_space<hbm>>)
        %dma_wait3A_250 = arith.constant 0 : i32
        %dma_wait3A_251 = tpu.memref_slice %arg4[%mul3A_2, %dma_wait3A_250] : memref<819200x128xf32, #tpu.memory_space<hbm>> -> memref<128x64xf32, #tpu.memory_space<hbm>>
        %dma_wait3A_252 = arith.constant 0 : i32
        %dma_wait3A_253 = tpu.memref_slice %arg4[%mul3A_2, %dma_wait3A_252] : memref<819200x128xf32, #tpu.memory_space<hbm>> -> memref<128x64xf32, #tpu.memory_space<hbm>>
        tpu.wait_dma2 semaphore(%arg15 : memref<!tpu.dma_semaphore, #tpu.memory_space<semaphore_mem>>) src(%arg9 : memref<128x64xf32, #tpu.memory_space<vmem>>) dst(%dma_wait3A_253 : memref<128x64xf32, #tpu.memory_space<hbm>>)
      } else {
      }
      %add3A_50 = arith.constant 0 : i32
      %add3A_51 = arith.addi %mul3A_45, %add3A_50 : i32
      %dma_start3A = arith.constant 0 : i32
      %dma_start3A_52 = tpu.memref_slice %arg5[%add3A_51, %dma_start3A] : memref<200x128xi32, #tpu.memory_space<vmem>> -> memref<1x128xi32, #tpu.memory_space<vmem>>
      %dma_start3A_53 = tpu.memref_squeeze %dma_start3A_52 : memref<1x128xi32, #tpu.memory_space<vmem>> -> memref<128xi32, #tpu.memory_space<vmem>>
      %dma_start3A_54 = arith.constant 0 : i32
      %dma_start3A_55 = arith.constant 0 : i32
      %dma_start3A_56 = tpu.memref_slice %arg3[%dma_start3A_54, %dma_start3A_55] : memref<1000000x64xf32, #tpu.memory_space<hbm>> -> memref<1000000x64xf32, #tpu.memory_space<hbm>>
      tpu.enqueue_indirect_dma source(%dma_start3A_56 : memref<1000000x64xf32, #tpu.memory_space<hbm>>) target(%arg6 : memref<128x64xf32, #tpu.memory_space<vmem>>) offsets(%dma_start3A_53 : memref<128xi32, #tpu.memory_space<vmem>>) semaphore(%arg14 : memref<!tpu.dma_semaphore, #tpu.memory_space<semaphore_mem>>)
      %add3A_57 = arith.constant 1 : i32
      %add3A_58 = arith.addi %mul3A_45, %add3A_57 : i32
      %dma_start3A_59 = arith.constant 0 : i32
      %dma_start3A_60 = tpu.memref_slice %arg5[%add3A_58, %dma_start3A_59] : memref<200x128xi32, #tpu.memory_space<vmem>> -> memref<1x128xi32, #tpu.memory_space<vmem>>
      %dma_start3A_61 = tpu.memref_squeeze %dma_start3A_60 : memref<1x128xi32, #tpu.memory_space<vmem>> -> memref<128xi32, #tpu.memory_space<vmem>>
      %dma_start3A_62 = arith.constant 0 : i32
      %dma_start3A_63 = arith.constant 0 : i32
      %dma_start3A_64 = tpu.memref_slice %arg3[%dma_start3A_62, %dma_start3A_63] : memref<1000000x64xf32, #tpu.memory_space<hbm>> -> memref<1000000x64xf32, #tpu.memory_space<hbm>>
      tpu.enqueue_indirect_dma source(%dma_start3A_64 : memref<1000000x64xf32, #tpu.memory_space<hbm>>) target(%arg7 : memref<128x64xf32, #tpu.memory_space<vmem>>) offsets(%dma_start3A_61 : memref<128xi32, #tpu.memory_space<vmem>>) semaphore(%arg14 : memref<!tpu.dma_semaphore, #tpu.memory_space<semaphore_mem>>)
      %add3A_65 = arith.constant 2 : i32
      %add3A_66 = arith.addi %mul3A_45, %add3A_65 : i32
      %dma_start3A_67 = arith.constant 0 : i32
      %dma_start3A_68 = tpu.memref_slice %arg5[%add3A_66, %dma_start3A_67] : memref<200x128xi32, #tpu.memory_space<vmem>> -> memref<1x128xi32, #tpu.memory_space<vmem>>
      %dma_start3A_69 = tpu.memref_squeeze %dma_start3A_68 : memref<1x128xi32, #tpu.memory_space<vmem>> -> memref<128xi32, #tpu.memory_space<vmem>>
      %dma_start3A_70 = arith.constant 0 : i32
      %dma_start3A_71 = arith.constant 0 : i32
      %dma_start3A_72 = tpu.memref_slice %arg3[%dma_start3A_70, %dma_start3A_71] : memref<1000000x64xf32, #tpu.memory_space<hbm>> -> memref<1000000x64xf32, #tpu.memory_space<hbm>>
      tpu.enqueue_indirect_dma source(%dma_start3A_72 : memref<1000000x64xf32, #tpu.memory_space<hbm>>) target(%arg8 : memref<128x64xf32, #tpu.memory_space<vmem>>) offsets(%dma_start3A_69 : memref<128xi32, #tpu.memory_space<vmem>>) semaphore(%arg14 : memref<!tpu.dma_semaphore, #tpu.memory_space<semaphore_mem>>)
      %add3A_73 = arith.constant 3 : i32
      %add3A_74 = arith.addi %mul3A_45, %add3A_73 : i32
      %dma_start3A_75 = arith.constant 0 : i32
      %dma_start3A_76 = tpu.memref_slice %arg5[%add3A_74, %dma_start3A_75] : memref<200x128xi32, #tpu.memory_space<vmem>> -> memref<1x128xi32, #tpu.memory_space<vmem>>
      %dma_start3A_77 = tpu.memref_squeeze %dma_start3A_76 : memref<1x128xi32, #tpu.memory_space<vmem>> -> memref<128xi32, #tpu.memory_space<vmem>>
      %dma_start3A_78 = arith.constant 0 : i32
      %dma_start3A_79 = arith.constant 0 : i32
      %dma_start3A_80 = tpu.memref_slice %arg3[%dma_start3A_78, %dma_start3A_79] : memref<1000000x64xf32, #tpu.memory_space<hbm>> -> memref<1000000x64xf32, #tpu.memory_space<hbm>>
      tpu.enqueue_indirect_dma source(%dma_start3A_80 : memref<1000000x64xf32, #tpu.memory_space<hbm>>) target(%arg9 : memref<128x64xf32, #tpu.memory_space<vmem>>) offsets(%dma_start3A_77 : memref<128xi32, #tpu.memory_space<vmem>>) semaphore(%arg14 : memref<!tpu.dma_semaphore, #tpu.memory_space<semaphore_mem>>)
      %gt3A_81 = arith.constant 0 : i32
      %gt3A_82 = arith.cmpi sgt, %scan3A_41, %gt3A_81 : i32
      %convert_element_type3A_83 = arith.extui %gt3A_82 : i1 to i32
      %cond3A_84 = arith.constant 0 : i32
      %cond3A_85 = arith.cmpi ne, %convert_element_type3A_83, %cond3A_84 : i32
      scf.if %cond3A_85 {
        %dma_wait3A_238 = arith.constant 0 : i32
        %dma_wait3A_239 = tpu.memref_slice %arg4[%mul3A_2, %dma_wait3A_238] : memref<819200x128xf32, #tpu.memory_space<hbm>> -> memref<128x64xf32, #tpu.memory_space<hbm>>
        %dma_wait3A_240 = arith.constant 0 : i32
        %dma_wait3A_241 = tpu.memref_slice %arg4[%mul3A_2, %dma_wait3A_240] : memref<819200x128xf32, #tpu.memory_space<hbm>> -> memref<128x64xf32, #tpu.memory_space<hbm>>
        tpu.wait_dma2 semaphore(%arg17 : memref<!tpu.dma_semaphore, #tpu.memory_space<semaphore_mem>>) src(%arg10 : memref<128x64xf32, #tpu.memory_space<vmem>>) dst(%dma_wait3A_241 : memref<128x64xf32, #tpu.memory_space<hbm>>)
        %dma_wait3A_242 = arith.constant 0 : i32
        %dma_wait3A_243 = tpu.memref_slice %arg4[%mul3A_2, %dma_wait3A_242] : memref<819200x128xf32, #tpu.memory_space<hbm>> -> memref<128x64xf32, #tpu.memory_space<hbm>>
        %dma_wait3A_244 = arith.constant 0 : i32
        %dma_wait3A_245 = tpu.memref_slice %arg4[%mul3A_2, %dma_wait3A_244] : memref<819200x128xf32, #tpu.memory_space<hbm>> -> memref<128x64xf32, #tpu.memory_space<hbm>>
        tpu.wait_dma2 semaphore(%arg17 : memref<!tpu.dma_semaphore, #tpu.memory_space<semaphore_mem>>) src(%arg11 : memref<128x64xf32, #tpu.memory_space<vmem>>) dst(%dma_wait3A_245 : memref<128x64xf32, #tpu.memory_space<hbm>>)
        %dma_wait3A_246 = arith.constant 0 : i32
        %dma_wait3A_247 = tpu.memref_slice %arg4[%mul3A_2, %dma_wait3A_246] : memref<819200x128xf32, #tpu.memory_space<hbm>> -> memref<128x64xf32, #tpu.memory_space<hbm>>
        %dma_wait3A_248 = arith.constant 0 : i32
        %dma_wait3A_249 = tpu.memref_slice %arg4[%mul3A_2, %dma_wait3A_248] : memref<819200x128xf32, #tpu.memory_space<hbm>> -> memref<128x64xf32, #tpu.memory_space<hbm>>
        tpu.wait_dma2 semaphore(%arg17 : memref<!tpu.dma_semaphore, #tpu.memory_space<semaphore_mem>>) src(%arg12 : memref<128x64xf32, #tpu.memory_space<vmem>>) dst(%dma_wait3A_249 : memref<128x64xf32, #tpu.memory_space<hbm>>)
        %dma_wait3A_250 = arith.constant 0 : i32
        %dma_wait3A_251 = tpu.memref_slice %arg4[%mul3A_2, %dma_wait3A_250] : memref<819200x128xf32, #tpu.memory_space<hbm>> -> memref<128x64xf32, #tpu.memory_space<hbm>>
        %dma_wait3A_252 = arith.constant 0 : i32
        %dma_wait3A_253 = tpu.memref_slice %arg4[%mul3A_2, %dma_wait3A_252] : memref<819200x128xf32, #tpu.memory_space<hbm>> -> memref<128x64xf32, #tpu.memory_space<hbm>>
        tpu.wait_dma2 semaphore(%arg17 : memref<!tpu.dma_semaphore, #tpu.memory_space<semaphore_mem>>) src(%arg13 : memref<128x64xf32, #tpu.memory_space<vmem>>) dst(%dma_wait3A_253 : memref<128x64xf32, #tpu.memory_space<hbm>>)
      } else {
      }
      %dma_wait3A_86 = arith.constant 0 : i32
      %dma_wait3A_87 = tpu.memref_slice %arg5[%add3A_51, %dma_wait3A_86] : memref<200x128xi32, #tpu.memory_space<vmem>> -> memref<1x128xi32, #tpu.memory_space<vmem>>
      %dma_wait3A_88 = tpu.memref_squeeze %dma_wait3A_87 : memref<1x128xi32, #tpu.memory_space<vmem>> -> memref<128xi32, #tpu.memory_space<vmem>>
      %dma_wait3A_89 = arith.constant 0 : i32
      %dma_wait3A_90 = arith.constant 0 : i32
      %dma_wait3A_91 = tpu.memref_slice %arg3[%dma_wait3A_89, %dma_wait3A_90] : memref<1000000x64xf32, #tpu.memory_space<hbm>> -> memref<1000000x64xf32, #tpu.memory_space<hbm>>
      tpu.wait_indirect_dma semaphore(%arg14 : memref<!tpu.dma_semaphore, #tpu.memory_space<semaphore_mem>>) src(%dma_wait3A_91 : memref<1000000x64xf32, #tpu.memory_space<hbm>>) dst(%arg6 : memref<128x64xf32, #tpu.memory_space<vmem>>)
      %dma_wait3A_92 = arith.constant 0 : i32
      %dma_wait3A_93 = tpu.memref_slice %arg5[%add3A_58, %dma_wait3A_92] : memref<200x128xi32, #tpu.memory_space<vmem>> -> memref<1x128xi32, #tpu.memory_space<vmem>>
      %dma_wait3A_94 = tpu.memref_squeeze %dma_wait3A_93 : memref<1x128xi32, #tpu.memory_space<vmem>> -> memref<128xi32, #tpu.memory_space<vmem>>
      %dma_wait3A_95 = arith.constant 0 : i32
      %dma_wait3A_96 = arith.constant 0 : i32
      %dma_wait3A_97 = tpu.memref_slice %arg3[%dma_wait3A_95, %dma_wait3A_96] : memref<1000000x64xf32, #tpu.memory_space<hbm>> -> memref<1000000x64xf32, #tpu.memory_space<hbm>>
      tpu.wait_indirect_dma semaphore(%arg14 : memref<!tpu.dma_semaphore, #tpu.memory_space<semaphore_mem>>) src(%dma_wait3A_97 : memref<1000000x64xf32, #tpu.memory_space<hbm>>) dst(%arg7 : memref<128x64xf32, #tpu.memory_space<vmem>>)
      %dma_wait3A_98 = arith.constant 0 : i32
      %dma_wait3A_99 = tpu.memref_slice %arg5[%add3A_66, %dma_wait3A_98] : memref<200x128xi32, #tpu.memory_space<vmem>> -> memref<1x128xi32, #tpu.memory_space<vmem>>
      %dma_wait3A_100 = tpu.memref_squeeze %dma_wait3A_99 : memref<1x128xi32, #tpu.memory_space<vmem>> -> memref<128xi32, #tpu.memory_space<vmem>>
      %dma_wait3A_101 = arith.constant 0 : i32
      %dma_wait3A_102 = arith.constant 0 : i32
      %dma_wait3A_103 = tpu.memref_slice %arg3[%dma_wait3A_101, %dma_wait3A_102] : memref<1000000x64xf32, #tpu.memory_space<hbm>> -> memref<1000000x64xf32, #tpu.memory_space<hbm>>
      tpu.wait_indirect_dma semaphore(%arg14 : memref<!tpu.dma_semaphore, #tpu.memory_space<semaphore_mem>>) src(%dma_wait3A_103 : memref<1000000x64xf32, #tpu.memory_space<hbm>>) dst(%arg8 : memref<128x64xf32, #tpu.memory_space<vmem>>)
      %dma_wait3A_104 = arith.constant 0 : i32
      %dma_wait3A_105 = tpu.memref_slice %arg5[%add3A_74, %dma_wait3A_104] : memref<200x128xi32, #tpu.memory_space<vmem>> -> memref<1x128xi32, #tpu.memory_space<vmem>>
      %dma_wait3A_106 = tpu.memref_squeeze %dma_wait3A_105 : memref<1x128xi32, #tpu.memory_space<vmem>> -> memref<128xi32, #tpu.memory_space<vmem>>
      %dma_wait3A_107 = arith.constant 0 : i32
      %dma_wait3A_108 = arith.constant 0 : i32
      %dma_wait3A_109 = tpu.memref_slice %arg3[%dma_wait3A_107, %dma_wait3A_108] : memref<1000000x64xf32, #tpu.memory_space<hbm>> -> memref<1000000x64xf32, #tpu.memory_space<hbm>>
      tpu.wait_indirect_dma semaphore(%arg14 : memref<!tpu.dma_semaphore, #tpu.memory_space<semaphore_mem>>) src(%dma_wait3A_109 : memref<1000000x64xf32, #tpu.memory_space<hbm>>) dst(%arg9 : memref<128x64xf32, #tpu.memory_space<vmem>>)
      %add3A_110 = arith.constant 0 : i32
      %add3A_111 = arith.addi %mul3A_45, %add3A_110 : i32
      %mul3A_112 = arith.constant 128 : i32
      %mul3A_113 = arith.muli %add3A_111, %mul3A_112 : i32
      %add3A_114 = arith.addi %mul3A_2, %mul3A_113 : i32
      %dma_start3A_115 = arith.constant 0 : i32
      %dma_start3A_116 = tpu.memref_slice %arg4[%add3A_114, %dma_start3A_115] : memref<819200x128xf32, #tpu.memory_space<hbm>> -> memref<128x64xf32, #tpu.memory_space<hbm>>
      %dma_start3A_117 = arith.constant 0 : i32
      %dma_start3A_118 = tpu.memref_slice %arg4[%add3A_114, %dma_start3A_117] : memref<819200x128xf32, #tpu.memory_space<hbm>> -> memref<128x64xf32, #tpu.memory_space<hbm>>
      tpu.enqueue_dma source(%arg6 : memref<128x64xf32, #tpu.memory_space<vmem>>) target(%dma_start3A_118 : memref<128x64xf32, #tpu.memory_space<hbm>>) target_semaphore(%arg15 : memref<!tpu.dma_semaphore, #tpu.memory_space<semaphore_mem>>)
      %add3A_119 = arith.constant 1 : i32
      %add3A_120 = arith.addi %mul3A_45, %add3A_119 : i32
      %mul3A_121 = arith.constant 128 : i32
      %mul3A_122 = arith.muli %add3A_120, %mul3A_121 : i32
      %add3A_123 = arith.addi %mul3A_2, %mul3A_122 : i32
      %dma_start3A_124 = arith.constant 0 : i32
      %dma_start3A_125 = tpu.memref_slice %arg4[%add3A_123, %dma_start3A_124] : memref<819200x128xf32, #tpu.memory_space<hbm>> -> memref<128x64xf32, #tpu.memory_space<hbm>>
      %dma_start3A_126 = arith.constant 0 : i32
      %dma_start3A_127 = tpu.memref_slice %arg4[%add3A_123, %dma_start3A_126] : memref<819200x128xf32, #tpu.memory_space<hbm>> -> memref<128x64xf32, #tpu.memory_space<hbm>>
      tpu.enqueue_dma source(%arg7 : memref<128x64xf32, #tpu.memory_space<vmem>>) target(%dma_start3A_127 : memref<128x64xf32, #tpu.memory_space<hbm>>) target_semaphore(%arg15 : memref<!tpu.dma_semaphore, #tpu.memory_space<semaphore_mem>>)
      %add3A_128 = arith.constant 2 : i32
      %add3A_129 = arith.addi %mul3A_45, %add3A_128 : i32
      %mul3A_130 = arith.constant 128 : i32
      %mul3A_131 = arith.muli %add3A_129, %mul3A_130 : i32
      %add3A_132 = arith.addi %mul3A_2, %mul3A_131 : i32
      %dma_start3A_133 = arith.constant 0 : i32
      %dma_start3A_134 = tpu.memref_slice %arg4[%add3A_132, %dma_start3A_133] : memref<819200x128xf32, #tpu.memory_space<hbm>> -> memref<128x64xf32, #tpu.memory_space<hbm>>
      %dma_start3A_135 = arith.constant 0 : i32
      %dma_start3A_136 = tpu.memref_slice %arg4[%add3A_132, %dma_start3A_135] : memref<819200x128xf32, #tpu.memory_space<hbm>> -> memref<128x64xf32, #tpu.memory_space<hbm>>
      tpu.enqueue_dma source(%arg8 : memref<128x64xf32, #tpu.memory_space<vmem>>) target(%dma_start3A_136 : memref<128x64xf32, #tpu.memory_space<hbm>>) target_semaphore(%arg15 : memref<!tpu.dma_semaphore, #tpu.memory_space<semaphore_mem>>)
      %add3A_137 = arith.constant 3 : i32
      %add3A_138 = arith.addi %mul3A_45, %add3A_137 : i32
      %mul3A_139 = arith.constant 128 : i32
      %mul3A_140 = arith.muli %add3A_138, %mul3A_139 : i32
      %add3A_141 = arith.addi %mul3A_2, %mul3A_140 : i32
      %dma_start3A_142 = arith.constant 0 : i32
      %dma_start3A_143 = tpu.memref_slice %arg4[%add3A_141, %dma_start3A_142] : memref<819200x128xf32, #tpu.memory_space<hbm>> -> memref<128x64xf32, #tpu.memory_space<hbm>>
      %dma_start3A_144 = arith.constant 0 : i32
      %dma_start3A_145 = tpu.memref_slice %arg4[%add3A_141, %dma_start3A_144] : memref<819200x128xf32, #tpu.memory_space<hbm>> -> memref<128x64xf32, #tpu.memory_space<hbm>>
      tpu.enqueue_dma source(%arg9 : memref<128x64xf32, #tpu.memory_space<vmem>>) target(%dma_start3A_145 : memref<128x64xf32, #tpu.memory_space<hbm>>) target_semaphore(%arg15 : memref<!tpu.dma_semaphore, #tpu.memory_space<semaphore_mem>>)
      %add3A_146 = arith.constant 0 : i32
      %add3A_147 = arith.addi %add3A_47, %add3A_146 : i32
      %dma_start3A_148 = arith.constant 0 : i32
      %dma_start3A_149 = tpu.memref_slice %arg5[%add3A_147, %dma_start3A_148] : memref<200x128xi32, #tpu.memory_space<vmem>> -> memref<1x128xi32, #tpu.memory_space<vmem>>
      %dma_start3A_150 = tpu.memref_squeeze %dma_start3A_149 : memref<1x128xi32, #tpu.memory_space<vmem>> -> memref<128xi32, #tpu.memory_space<vmem>>
      %dma_start3A_151 = arith.constant 0 : i32
      %dma_start3A_152 = arith.constant 0 : i32
      %dma_start3A_153 = tpu.memref_slice %arg3[%dma_start3A_151, %dma_start3A_152] : memref<1000000x64xf32, #tpu.memory_space<hbm>> -> memref<1000000x64xf32, #tpu.memory_space<hbm>>
      tpu.enqueue_indirect_dma source(%dma_start3A_153 : memref<1000000x64xf32, #tpu.memory_space<hbm>>) target(%arg10 : memref<128x64xf32, #tpu.memory_space<vmem>>) offsets(%dma_start3A_150 : memref<128xi32, #tpu.memory_space<vmem>>) semaphore(%arg16 : memref<!tpu.dma_semaphore, #tpu.memory_space<semaphore_mem>>)
      %add3A_154 = arith.constant 1 : i32
      %add3A_155 = arith.addi %add3A_47, %add3A_154 : i32
      %dma_start3A_156 = arith.constant 0 : i32
      %dma_start3A_157 = tpu.memref_slice %arg5[%add3A_155, %dma_start3A_156] : memref<200x128xi32, #tpu.memory_space<vmem>> -> memref<1x128xi32, #tpu.memory_space<vmem>>
      %dma_start3A_158 = tpu.memref_squeeze %dma_start3A_157 : memref<1x128xi32, #tpu.memory_space<vmem>> -> memref<128xi32, #tpu.memory_space<vmem>>
      %dma_start3A_159 = arith.constant 0 : i32
      %dma_start3A_160 = arith.constant 0 : i32
      %dma_start3A_161 = tpu.memref_slice %arg3[%dma_start3A_159, %dma_start3A_160] : memref<1000000x64xf32, #tpu.memory_space<hbm>> -> memref<1000000x64xf32, #tpu.memory_space<hbm>>
      tpu.enqueue_indirect_dma source(%dma_start3A_161 : memref<1000000x64xf32, #tpu.memory_space<hbm>>) target(%arg11 : memref<128x64xf32, #tpu.memory_space<vmem>>) offsets(%dma_start3A_158 : memref<128xi32, #tpu.memory_space<vmem>>) semaphore(%arg16 : memref<!tpu.dma_semaphore, #tpu.memory_space<semaphore_mem>>)
      %add3A_162 = arith.constant 2 : i32
      %add3A_163 = arith.addi %add3A_47, %add3A_162 : i32
      %dma_start3A_164 = arith.constant 0 : i32
      %dma_start3A_165 = tpu.memref_slice %arg5[%add3A_163, %dma_start3A_164] : memref<200x128xi32, #tpu.memory_space<vmem>> -> memref<1x128xi32, #tpu.memory_space<vmem>>
      %dma_start3A_166 = tpu.memref_squeeze %dma_start3A_165 : memref<1x128xi32, #tpu.memory_space<vmem>> -> memref<128xi32, #tpu.memory_space<vmem>>
      %dma_start3A_167 = arith.constant 0 : i32
      %dma_start3A_168 = arith.constant 0 : i32
      %dma_start3A_169 = tpu.memref_slice %arg3[%dma_start3A_167, %dma_start3A_168] : memref<1000000x64xf32, #tpu.memory_space<hbm>> -> memref<1000000x64xf32, #tpu.memory_space<hbm>>
      tpu.enqueue_indirect_dma source(%dma_start3A_169 : memref<1000000x64xf32, #tpu.memory_space<hbm>>) target(%arg12 : memref<128x64xf32, #tpu.memory_space<vmem>>) offsets(%dma_start3A_166 : memref<128xi32, #tpu.memory_space<vmem>>) semaphore(%arg16 : memref<!tpu.dma_semaphore, #tpu.memory_space<semaphore_mem>>)
      %add3A_170 = arith.constant 3 : i32
      %add3A_171 = arith.addi %add3A_47, %add3A_170 : i32
      %dma_start3A_172 = arith.constant 0 : i32
      %dma_start3A_173 = tpu.memref_slice %arg5[%add3A_171, %dma_start3A_172] : memref<200x128xi32, #tpu.memory_space<vmem>> -> memref<1x128xi32, #tpu.memory_space<vmem>>
      %dma_start3A_174 = tpu.memref_squeeze %dma_start3A_173 : memref<1x128xi32, #tpu.memory_space<vmem>> -> memref<128xi32, #tpu.memory_space<vmem>>
      %dma_start3A_175 = arith.constant 0 : i32
      %dma_start3A_176 = arith.constant 0 : i32
      %dma_start3A_177 = tpu.memref_slice %arg3[%dma_start3A_175, %dma_start3A_176] : memref<1000000x64xf32, #tpu.memory_space<hbm>> -> memref<1000000x64xf32, #tpu.memory_space<hbm>>
      tpu.enqueue_indirect_dma source(%dma_start3A_177 : memref<1000000x64xf32, #tpu.memory_space<hbm>>) target(%arg13 : memref<128x64xf32, #tpu.memory_space<vmem>>) offsets(%dma_start3A_174 : memref<128xi32, #tpu.memory_space<vmem>>) semaphore(%arg16 : memref<!tpu.dma_semaphore, #tpu.memory_space<semaphore_mem>>)
      %dma_wait3A_178 = arith.constant 0 : i32
      %dma_wait3A_179 = tpu.memref_slice %arg5[%add3A_147, %dma_wait3A_178] : memref<200x128xi32, #tpu.memory_space<vmem>> -> memref<1x128xi32, #tpu.memory_space<vmem>>
      %dma_wait3A_180 = tpu.memref_squeeze %dma_wait3A_179 : memref<1x128xi32, #tpu.memory_space<vmem>> -> memref<128xi32, #tpu.memory_space<vmem>>
      %dma_wait3A_181 = arith.constant 0 : i32
      %dma_wait3A_182 = arith.constant 0 : i32
      %dma_wait3A_183 = tpu.memref_slice %arg3[%dma_wait3A_181, %dma_wait3A_182] : memref<1000000x64xf32, #tpu.memory_space<hbm>> -> memref<1000000x64xf32, #tpu.memory_space<hbm>>
      tpu.wait_indirect_dma semaphore(%arg16 : memref<!tpu.dma_semaphore, #tpu.memory_space<semaphore_mem>>) src(%dma_wait3A_183 : memref<1000000x64xf32, #tpu.memory_space<hbm>>) dst(%arg10 : memref<128x64xf32, #tpu.memory_space<vmem>>)
      %dma_wait3A_184 = arith.constant 0 : i32
      %dma_wait3A_185 = tpu.memref_slice %arg5[%add3A_155, %dma_wait3A_184] : memref<200x128xi32, #tpu.memory_space<vmem>> -> memref<1x128xi32, #tpu.memory_space<vmem>>
      %dma_wait3A_186 = tpu.memref_squeeze %dma_wait3A_185 : memref<1x128xi32, #tpu.memory_space<vmem>> -> memref<128xi32, #tpu.memory_space<vmem>>
      %dma_wait3A_187 = arith.constant 0 : i32
      %dma_wait3A_188 = arith.constant 0 : i32
      %dma_wait3A_189 = tpu.memref_slice %arg3[%dma_wait3A_187, %dma_wait3A_188] : memref<1000000x64xf32, #tpu.memory_space<hbm>> -> memref<1000000x64xf32, #tpu.memory_space<hbm>>
      tpu.wait_indirect_dma semaphore(%arg16 : memref<!tpu.dma_semaphore, #tpu.memory_space<semaphore_mem>>) src(%dma_wait3A_189 : memref<1000000x64xf32, #tpu.memory_space<hbm>>) dst(%arg11 : memref<128x64xf32, #tpu.memory_space<vmem>>)
      %dma_wait3A_190 = arith.constant 0 : i32
      %dma_wait3A_191 = tpu.memref_slice %arg5[%add3A_163, %dma_wait3A_190] : memref<200x128xi32, #tpu.memory_space<vmem>> -> memref<1x128xi32, #tpu.memory_space<vmem>>
      %dma_wait3A_192 = tpu.memref_squeeze %dma_wait3A_191 : memref<1x128xi32, #tpu.memory_space<vmem>> -> memref<128xi32, #tpu.memory_space<vmem>>
      %dma_wait3A_193 = arith.constant 0 : i32
      %dma_wait3A_194 = arith.constant 0 : i32
      %dma_wait3A_195 = tpu.memref_slice %arg3[%dma_wait3A_193, %dma_wait3A_194] : memref<1000000x64xf32, #tpu.memory_space<hbm>> -> memref<1000000x64xf32, #tpu.memory_space<hbm>>
      tpu.wait_indirect_dma semaphore(%arg16 : memref<!tpu.dma_semaphore, #tpu.memory_space<semaphore_mem>>) src(%dma_wait3A_195 : memref<1000000x64xf32, #tpu.memory_space<hbm>>) dst(%arg12 : memref<128x64xf32, #tpu.memory_space<vmem>>)
      %dma_wait3A_196 = arith.constant 0 : i32
      %dma_wait3A_197 = tpu.memref_slice %arg5[%add3A_171, %dma_wait3A_196] : memref<200x128xi32, #tpu.memory_space<vmem>> -> memref<1x128xi32, #tpu.memory_space<vmem>>
      %dma_wait3A_198 = tpu.memref_squeeze %dma_wait3A_197 : memref<1x128xi32, #tpu.memory_space<vmem>> -> memref<128xi32, #tpu.memory_space<vmem>>
      %dma_wait3A_199 = arith.constant 0 : i32
      %dma_wait3A_200 = arith.constant 0 : i32
      %dma_wait3A_201 = tpu.memref_slice %arg3[%dma_wait3A_199, %dma_wait3A_200] : memref<1000000x64xf32, #tpu.memory_space<hbm>> -> memref<1000000x64xf32, #tpu.memory_space<hbm>>
      tpu.wait_indirect_dma semaphore(%arg16 : memref<!tpu.dma_semaphore, #tpu.memory_space<semaphore_mem>>) src(%dma_wait3A_201 : memref<1000000x64xf32, #tpu.memory_space<hbm>>) dst(%arg13 : memref<128x64xf32, #tpu.memory_space<vmem>>)
      %add3A_202 = arith.constant 0 : i32
      %add3A_203 = arith.addi %add3A_47, %add3A_202 : i32
      %mul3A_204 = arith.constant 128 : i32
      %mul3A_205 = arith.muli %add3A_203, %mul3A_204 : i32
      %add3A_206 = arith.addi %mul3A_2, %mul3A_205 : i32
      %dma_start3A_207 = arith.constant 0 : i32
      %dma_start3A_208 = tpu.memref_slice %arg4[%add3A_206, %dma_start3A_207] : memref<819200x128xf32, #tpu.memory_space<hbm>> -> memref<128x64xf32, #tpu.memory_space<hbm>>
      %dma_start3A_209 = arith.constant 0 : i32
      %dma_start3A_210 = tpu.memref_slice %arg4[%add3A_206, %dma_start3A_209] : memref<819200x128xf32, #tpu.memory_space<hbm>> -> memref<128x64xf32, #tpu.memory_space<hbm>>
      tpu.enqueue_dma source(%arg10 : memref<128x64xf32, #tpu.memory_space<vmem>>) target(%dma_start3A_210 : memref<128x64xf32, #tpu.memory_space<hbm>>) target_semaphore(%arg17 : memref<!tpu.dma_semaphore, #tpu.memory_space<semaphore_mem>>)
      %add3A_211 = arith.constant 1 : i32
      %add3A_212 = arith.addi %add3A_47, %add3A_211 : i32
      %mul3A_213 = arith.constant 128 : i32
      %mul3A_214 = arith.muli %add3A_212, %mul3A_213 : i32
      %add3A_215 = arith.addi %mul3A_2, %mul3A_214 : i32
      %dma_start3A_216 = arith.constant 0 : i32
      %dma_start3A_217 = tpu.memref_slice %arg4[%add3A_215, %dma_start3A_216] : memref<819200x128xf32, #tpu.memory_space<hbm>> -> memref<128x64xf32, #tpu.memory_space<hbm>>
      %dma_start3A_218 = arith.constant 0 : i32
      %dma_start3A_219 = tpu.memref_slice %arg4[%add3A_215, %dma_start3A_218] : memref<819200x128xf32, #tpu.memory_space<hbm>> -> memref<128x64xf32, #tpu.memory_space<hbm>>
      tpu.enqueue_dma source(%arg11 : memref<128x64xf32, #tpu.memory_space<vmem>>) target(%dma_start3A_219 : memref<128x64xf32, #tpu.memory_space<hbm>>) target_semaphore(%arg17 : memref<!tpu.dma_semaphore, #tpu.memory_space<semaphore_mem>>)
      %add3A_220 = arith.constant 2 : i32
      %add3A_221 = arith.addi %add3A_47, %add3A_220 : i32
      %mul3A_222 = arith.constant 128 : i32
      %mul3A_223 = arith.muli %add3A_221, %mul3A_222 : i32
      %add3A_224 = arith.addi %mul3A_2, %mul3A_223 : i32
      %dma_start3A_225 = arith.constant 0 : i32
      %dma_start3A_226 = tpu.memref_slice %arg4[%add3A_224, %dma_start3A_225] : memref<819200x128xf32, #tpu.memory_space<hbm>> -> memref<128x64xf32, #tpu.memory_space<hbm>>
      %dma_start3A_227 = arith.constant 0 : i32
      %dma_start3A_228 = tpu.memref_slice %arg4[%add3A_224, %dma_start3A_227] : memref<819200x128xf32, #tpu.memory_space<hbm>> -> memref<128x64xf32, #tpu.memory_space<hbm>>
      tpu.enqueue_dma source(%arg12 : memref<128x64xf32, #tpu.memory_space<vmem>>) target(%dma_start3A_228 : memref<128x64xf32, #tpu.memory_space<hbm>>) target_semaphore(%arg17 : memref<!tpu.dma_semaphore, #tpu.memory_space<semaphore_mem>>)
      %add3A_229 = arith.constant 3 : i32
      %add3A_230 = arith.addi %add3A_47, %add3A_229 : i32
      %mul3A_231 = arith.constant 128 : i32
      %mul3A_232 = arith.muli %add3A_230, %mul3A_231 : i32
      %add3A_233 = arith.addi %mul3A_2, %mul3A_232 : i32
      %dma_start3A_234 = arith.constant 0 : i32
      %dma_start3A_235 = tpu.memref_slice %arg4[%add3A_233, %dma_start3A_234] : memref<819200x128xf32, #tpu.memory_space<hbm>> -> memref<128x64xf32, #tpu.memory_space<hbm>>
      %dma_start3A_236 = arith.constant 0 : i32
      %dma_start3A_237 = tpu.memref_slice %arg4[%add3A_233, %dma_start3A_236] : memref<819200x128xf32, #tpu.memory_space<hbm>> -> memref<128x64xf32, #tpu.memory_space<hbm>>
      tpu.enqueue_dma source(%arg13 : memref<128x64xf32, #tpu.memory_space<vmem>>) target(%dma_start3A_237 : memref<128x64xf32, #tpu.memory_space<hbm>>) target_semaphore(%arg17 : memref<!tpu.dma_semaphore, #tpu.memory_space<semaphore_mem>>)
    }
    %scan3A_9 = arith.constant 25 : i32
    %dma_wait3A = arith.constant 0 : i32
    %dma_wait3A_10 = tpu.memref_slice %arg4[%mul3A_2, %dma_wait3A] : memref<819200x128xf32, #tpu.memory_space<hbm>> -> memref<128x64xf32, #tpu.memory_space<hbm>>
    %dma_wait3A_11 = arith.constant 0 : i32
    %dma_wait3A_12 = tpu.memref_slice %arg4[%mul3A_2, %dma_wait3A_11] : memref<819200x128xf32, #tpu.memory_space<hbm>> -> memref<128x64xf32, #tpu.memory_space<hbm>>
    tpu.wait_dma2 semaphore(%arg15 : memref<!tpu.dma_semaphore, #tpu.memory_space<semaphore_mem>>) src(%arg6 : memref<128x64xf32, #tpu.memory_space<vmem>>) dst(%dma_wait3A_12 : memref<128x64xf32, #tpu.memory_space<hbm>>)
    %dma_wait3A_13 = arith.constant 0 : i32
    %dma_wait3A_14 = tpu.memref_slice %arg4[%mul3A_2, %dma_wait3A_13] : memref<819200x128xf32, #tpu.memory_space<hbm>> -> memref<128x64xf32, #tpu.memory_space<hbm>>
    %dma_wait3A_15 = arith.constant 0 : i32
    %dma_wait3A_16 = tpu.memref_slice %arg4[%mul3A_2, %dma_wait3A_15] : memref<819200x128xf32, #tpu.memory_space<hbm>> -> memref<128x64xf32, #tpu.memory_space<hbm>>
    tpu.wait_dma2 semaphore(%arg15 : memref<!tpu.dma_semaphore, #tpu.memory_space<semaphore_mem>>) src(%arg7 : memref<128x64xf32, #tpu.memory_space<vmem>>) dst(%dma_wait3A_16 : memref<128x64xf32, #tpu.memory_space<hbm>>)
    %dma_wait3A_17 = arith.constant 0 : i32
    %dma_wait3A_18 = tpu.memref_slice %arg4[%mul3A_2, %dma_wait3A_17] : memref<819200x128xf32, #tpu.memory_space<hbm>> -> memref<128x64xf32, #tpu.memory_space<hbm>>
    %dma_wait3A_19 = arith.constant 0 : i32
    %dma_wait3A_20 = tpu.memref_slice %arg4[%mul3A_2, %dma_wait3A_19] : memref<819200x128xf32, #tpu.memory_space<hbm>> -> memref<128x64xf32, #tpu.memory_space<hbm>>
    tpu.wait_dma2 semaphore(%arg15 : memref<!tpu.dma_semaphore, #tpu.memory_space<semaphore_mem>>) src(%arg8 : memref<128x64xf32, #tpu.memory_space<vmem>>) dst(%dma_wait3A_20 : memref<128x64xf32, #tpu.memory_space<hbm>>)
    %dma_wait3A_21 = arith.constant 0 : i32
    %dma_wait3A_22 = tpu.memref_slice %arg4[%mul3A_2, %dma_wait3A_21] : memref<819200x128xf32, #tpu.memory_space<hbm>> -> memref<128x64xf32, #tpu.memory_space<hbm>>
    %dma_wait3A_23 = arith.constant 0 : i32
    %dma_wait3A_24 = tpu.memref_slice %arg4[%mul3A_2, %dma_wait3A_23] : memref<819200x128xf32, #tpu.memory_space<hbm>> -> memref<128x64xf32, #tpu.memory_space<hbm>>
    tpu.wait_dma2 semaphore(%arg15 : memref<!tpu.dma_semaphore, #tpu.memory_space<semaphore_mem>>) src(%arg9 : memref<128x64xf32, #tpu.memory_space<vmem>>) dst(%dma_wait3A_24 : memref<128x64xf32, #tpu.memory_space<hbm>>)
    %dma_wait3A_25 = arith.constant 0 : i32
    %dma_wait3A_26 = tpu.memref_slice %arg4[%mul3A_2, %dma_wait3A_25] : memref<819200x128xf32, #tpu.memory_space<hbm>> -> memref<128x64xf32, #tpu.memory_space<hbm>>
    %dma_wait3A_27 = arith.constant 0 : i32
    %dma_wait3A_28 = tpu.memref_slice %arg4[%mul3A_2, %dma_wait3A_27] : memref<819200x128xf32, #tpu.memory_space<hbm>> -> memref<128x64xf32, #tpu.memory_space<hbm>>
    tpu.wait_dma2 semaphore(%arg17 : memref<!tpu.dma_semaphore, #tpu.memory_space<semaphore_mem>>) src(%arg10 : memref<128x64xf32, #tpu.memory_space<vmem>>) dst(%dma_wait3A_28 : memref<128x64xf32, #tpu.memory_space<hbm>>)
    %dma_wait3A_29 = arith.constant 0 : i32
    %dma_wait3A_30 = tpu.memref_slice %arg4[%mul3A_2, %dma_wait3A_29] : memref<819200x128xf32, #tpu.memory_space<hbm>> -> memref<128x64xf32, #tpu.memory_space<hbm>>
    %dma_wait3A_31 = arith.constant 0 : i32
    %dma_wait3A_32 = tpu.memref_slice %arg4[%mul3A_2, %dma_wait3A_31] : memref<819200x128xf32, #tpu.memory_space<hbm>> -> memref<128x64xf32, #tpu.memory_space<hbm>>
    tpu.wait_dma2 semaphore(%arg17 : memref<!tpu.dma_semaphore, #tpu.memory_space<semaphore_mem>>) src(%arg11 : memref<128x64xf32, #tpu.memory_space<vmem>>) dst(%dma_wait3A_32 : memref<128x64xf32, #tpu.memory_space<hbm>>)
    %dma_wait3A_33 = arith.constant 0 : i32
    %dma_wait3A_34 = tpu.memref_slice %arg4[%mul3A_2, %dma_wait3A_33] : memref<819200x128xf32, #tpu.memory_space<hbm>> -> memref<128x64xf32, #tpu.memory_space<hbm>>
    %dma_wait3A_35 = arith.constant 0 : i32
    %dma_wait3A_36 = tpu.memref_slice %arg4[%mul3A_2, %dma_wait3A_35] : memref<819200x128xf32, #tpu.memory_space<hbm>> -> memref<128x64xf32, #tpu.memory_space<hbm>>
    tpu.wait_dma2 semaphore(%arg17 : memref<!tpu.dma_semaphore, #tpu.memory_space<semaphore_mem>>) src(%arg12 : memref<128x64xf32, #tpu.memory_space<vmem>>) dst(%dma_wait3A_36 : memref<128x64xf32, #tpu.memory_space<hbm>>)
    %dma_wait3A_37 = arith.constant 0 : i32
    %dma_wait3A_38 = tpu.memref_slice %arg4[%mul3A_2, %dma_wait3A_37] : memref<819200x128xf32, #tpu.memory_space<hbm>> -> memref<128x64xf32, #tpu.memory_space<hbm>>
    %dma_wait3A_39 = arith.constant 0 : i32
    %dma_wait3A_40 = tpu.memref_slice %arg4[%mul3A_2, %dma_wait3A_39] : memref<819200x128xf32, #tpu.memory_space<hbm>> -> memref<128x64xf32, #tpu.memory_space<hbm>>
    tpu.wait_dma2 semaphore(%arg17 : memref<!tpu.dma_semaphore, #tpu.memory_space<semaphore_mem>>) src(%arg13 : memref<128x64xf32, #tpu.memory_space<vmem>>) dst(%dma_wait3A_40 : memref<128x64xf32, #tpu.memory_space<hbm>>)
    return
  }
}

</mosaic_0001>

<sc_bundles>
// kernel: kernel.3.cloned.1.call-start
scs
__scs_entry_jumppad:
0x0: {  	(pc) =	sbr.rel $0x88, $3  }
0x1: {  	(tag) =	ssettag $0x0;
	lr =	simm.s32 $0x1  }
0x2: {  	[smem:$0x3F9F] =	sst lr;
	_ =	strace $0xD0000000  }
0x3: {  	_ = 	snop  }
0x4: {  	_ = 	snop  }
0x5: {  	_ = 	snop  }
0x6: {  	_ = 	snop  }
0x7: {  	_ = 	snop  }
__scs_overlays_trampoline_lowered:
0x8: {  	[smem:$0x3FAE] =	sst s0  }
0x9: {  	[smem:$0x3FAF] =	sst s1  }
0xa: {  	[smem:$0x3FB0] =	sst s2  }
0xb: {  	[smem:$0x3FB1] =	sst s3  }
0xc: {  	[smem:$0x3FB2] =	sst s4  }
0xd: {  	[smem:$0x3FB3] =	sst s5  }
0xe: {  	[smem:$0x3FB4] =	sst s6  }
0xf: {  	[smem:$0x3FB5] =	sst s7  }
0x10: {  	[smem:$0x3FB6] =	sst s8  }
0x11: {  	[smem:$0x3FB7] =	sst s9;
	s0 =	simm.s32 @!p0 $0x0  }
0x12: {  	s1 =	sld [smem:$0x3F9D];
	s0 =	simm.s32 @p0 $0x1  }
0x13: {  	[smem:$0x3FB8] =	sst s0;
	s0 =	simm.s32 @!p1 $0x0  }
0x14: {  	s2 =	sld [smem:$0x3F9C];
	s0 =	simm.s32 @p1 $0x1  }
0x15: {  	[smem:$0x3FB9] =	sst s0;
	s0 =	simm.s32 @!p2 $0x0  }
0x16: {  	s3 =	sld [smem:$0x3FDB];
	s0 =	simm.s32 @p2 $0x1  }
0x17: {  	s4 =	simm.s32 $0x1BF5;
	[smem:$0x3FBB] =	sst s0  }
0x18: {  	s0 =	sld [smem:$0x3F9E];
	_ =	swait.ge [sflag:s4], $0x0  }
0x19: {  	s7 =	sld [smem:$0x3F9F]  }
0x1a: {  	s8 =	sadd.s32 $0xFFFFE003, lr  }
0x1b: {  	s9 =	sadd.s32 $0xFFFFFEF7, lr;
	s5 =	simm.s32 $0xFFFFFFFF;
	p2 =	slt.u32 s8, $0xFFFFF086  }
0x1c: {  	p1 =	slt.u32 s9, $0xF7A;
	s5 =	simm.s32 @!p2 $0x0  }
0x1d: {  	s5 =	simm.s32 @p1 $0x1;
	p0 =	seq.s32 s7, s2  }
0x1e: {  	s7 =	smul.u32 @!p0 $0xF7A, s2;
	p2 =	seq.s32 @!p0 s5, $0x0  }
0x1f: {  	s9 =	smul.u32 $0xF7A, s1;
	s8 =	simm.s32 @!p0 $0x1BF5;
	p2 =	por !p2, p0  }
0x20: {  	[sflag:s8] =	ssyncset.s32 @!p0 $0xFFFFF086;
	s6 =	sadd.s32 @!p0 s3, s7;
	s7 =	simm.s32 @!p0 $0x108  }
0x21: {  	s3 =	sadd.s32 s3, s9;
	s6 =	sadd.s32 @!p0 $0x88, s6;
	s7 =	simm.s32 @p2 $0x1082  }
0x22: {  	[simem:s7], [sflag:s8] =	dma.local @!p0 [hbm:s6], $0xF7A  }
0x23: {  	s9 =	sor.u32 $0xD0000000, s2;
	s6 =	simm.s32 $0x108;
	_ =	swait.ge @!p0 [sflag:s8], $0x0  }
0x24: {  	s3 =	sadd.s32 $0x88, s3;
	s6 =	simm.s32 @!p1 $0x1082;
	[sflag:s4] =	ssyncset.s32 $0xFFFFF086  }
0x25: {  	[simem:s6], [sflag:s4] =	dma.local [hbm:s3], $0xF7A  }
0x26: {  	[smem:$0x3F9F] =	sst s1;
	(tag) =	ssettag s2;
	_ =	strace s9  }
0x27: {  	s1 =	sld [smem:$0x3FAF]  }
0x28: {  	s2 =	sld [smem:$0x3FB0]  }
0x29: {  	s4 =	sld [smem:$0x3FB2]  }
0x2a: {  	p0 =	seq.s32 s5, $0x0;
	s5 =	sld [smem:$0x3FB3]  }
0x2b: {  	s6 =	sld [smem:$0x3FB4]  }
0x2c: {  	s7 =	sld [smem:$0x3FB5]  }
0x2d: {  	s3 =	simm.s32 $0x108;
	s8 =	sld [smem:$0x3FB6]  }
0x2e: {  	s3 =	simm.s32 @!p0 $0x1082;
	s9 =	sld [smem:$0x3FB7]  }
0x2f: {  	lr =	sadd.s32 s0, s3;
	s0 =	sld [smem:$0x3FAE]  }
0x30: {  	s3 =	sld [smem:$0x3FB1]  }
0x31: {  	[smem:$0x3FBA] =	sst s10  }
0x32: {  	s10 =	sld [smem:$0x3FB8];
	_ =	sdelay $0x3  }
0x33: {  	p0 =	seq.s32 s10, $0x1;
	s10 =	sld [smem:$0x3FBA];
	_ =	sdelay $0x3  }
0x34: {  	[smem:$0x3FBA] =	sst s10  }
0x35: {  	s10 =	sld [smem:$0x3FB9];
	_ =	sdelay $0x3  }
0x36: {  	p1 =	seq.s32 s10, $0x1;
	s10 =	sld [smem:$0x3FBA];
	_ =	sdelay $0x3  }
0x37: {  	[smem:$0x3FBA] =	sst s10  }
0x38: {  	s10 =	sld [smem:$0x3FBB]  }
0x39: {  	_ = 	snop;
	(pc) =	sbr.ind lr, $3  }
0x3a: {  	_ = 	snop  }
0x3b: {  	_ = 	snop  }
0x3c: {  	p2 =	seq.s32 s10, $0x1;
	s10 =	sld [smem:$0x3FBA]  }
0x3d: {  	_ =	shalt  }
0x3e: {  	_ =	shalt  }
0x3f: {  	_ =	shalt  }
0x40: {  	_ =	shalt  }
0x41: {  	_ =	shalt  }
0x42: {  	_ =	shalt  }
0x43: {  	_ =	shalt  }
0x44: {  	_ =	shalt  }
0x45: {  	_ =	shalt  }
0x46: {  	_ =	shalt  }
0x47: {  	_ =	shalt  }
0x48: {  	_ =	shalt  }
0x49: {  	_ =	shalt  }
0x4a: {  	_ =	shalt  }
0x4b: {  	_ =	shalt  }
0x4c: {  	_ =	shalt  }
0x4d: {  	_ =	shalt  }
0x4e: {  	_ =	shalt  }
0x4f: {  	_ =	shalt  }
0x50: {  	_ =	shalt  }
0x51: {  	_ =	shalt  }
0x52: {  	_ =	shalt  }
0x53: {  	_ =	shalt  }
0x54: {  	_ =	shalt  }
0x55: {  	_ =	shalt  }
0x56: {  	_ =	shalt  }
0x57: {  	_ =	shalt  }
0x58: {  	_ =	shalt  }
0x59: {  	_ =	shalt  }
0x5a: {  	_ =	shalt  }
0x5b: {  	_ =	shalt  }
0x5c: {  	_ =	shalt  }
0x5d: {  	_ =	shalt  }
0x5e: {  	_ =	shalt  }
0x5f: {  	_ =	shalt  }
0x60: {  	_ =	shalt  }
0x61: {  	_ =	shalt  }
0x62: {  	_ =	shalt  }
0x63: {  	_ =	shalt  }
0x64: {  	_ =	shalt  }
0x65: {  	_ =	shalt  }
0x66: {  	_ =	shalt  }
0x67: {  	_ =	shalt  }
0x68: {  	_ =	shalt  }
0x69: {  	_ =	shalt  }
0x6a: {  	_ =	shalt  }
0x6b: {  	_ =	shalt  }
0x6c: {  	_ =	shalt  }
0x6d: {  	_ =	shalt  }
0x6e: {  	_ =	shalt  }
0x6f: {  	_ =	shalt  }
0x70: {  	_ =	shalt  }
0x71: {  	_ =	shalt  }
0x72: {  	_ =	shalt  }
0x73: {  	_ =	shalt  }
0x74: {  	_ =	shalt  }
0x75: {  	_ =	shalt  }
0x76: {  	_ =	shalt  }
0x77: {  	_ =	shalt  }
0x78: {  	_ =	shalt  }
0x79: {  	_ =	shalt  }
0x7a: {  	_ =	shalt  }
0x7b: {  	_ =	shalt  }
0x7c: {  	_ =	shalt  }
0x7d: {  	_ =	shalt  }
0x7e: {  	_ =	shalt  }
0x7f: {  	_ =	shalt  }
0x80: {  	_ =	shalt  }
0x81: {  	_ =	shalt  }
0x82: {  	_ =	shalt  }
0x83: {  	_ =	shalt  }
0x84: {  	_ =	shalt  }
0x85: {  	_ =	shalt  }
0x86: {  	_ =	shalt  }
0x87: {  	_ =	shalt  }
.Lfunc_end0:
.L_simem_size_0:
called_computation.1_lowered:
.L_overlay_start_0:
0x88: {  	s2 =	sld [smem:$0x3FD9]  }
0x89: {  	s3 =	sld [smem:$0x3FFE];
	_ =	sdelay $0x1  }
0x8a: {  	s1 =	srdreg.scid  }
0x8b: {  	s0 =	sand.u32 $0x1, s1  }
0x8c: {  	s17 =	sshll.u32 s0, $0xA;
	s2 =	sadd.s32 s3, s2  }
0x8d: {  	s2 =	sadd.s32 s2, s17  }
0x8e: {  	[smem:$0x3FC6] =	sst s2  }
0x8f: {  	_ = 	snop  }
0x90: {  	s2 =	sld [smem:$0x3FD0];
	(tm) =	ssettm $0x1  }
0x91: {  	s18 =	sld [smem:$0x3FFB];
	_ =	sdelay $0x3  }
0x92: {  	_ =	strace s18  }
0x93: {  	s3 =	sld [smem:$0x3FFC];
	_ =	sdelay $0x3  }
0x94: {  	_ =	strace s3  }
0x95: {  	s3 =	sld [smem:$0x3FFD];
	_ =	sdelay $0x3  }
0x96: {  	_ =	strace s3  }
0x97: {  	_ =	strace $0x8FFFFFFF  }
0x98: {  	s19 =	sld [smem:$0x3FDB];
	_ =	sdelay $0x1  }
0x99: {  	s4 =	simm.s32 $_scs_section_size  }
0x9a: {  	s5 =	simm.s32 $_size__tile_overlayer_lowered;
	s6 =	simm.s32 $_tile_overlayer_lowered  }
0x9b: {  	s22 =	simm.s32 $0x1BFF;
	s21 =	sshll.u32 s6, $0x1;
	s3 =	sadd.s32 s4, s19  }
0x9c: {  	s7 =	simm.s32 $0x0;
	s20 =	sshll.u32 s5, $0x1;
	s5 =	sadd.s32 s21, s3  }
0x9d: {  	[timem:s7], [sflag:s22] =	dma.local [hbm:s5], s20  }
0x9e: {  	_ =	swait.ge [sflag:s22], s20  }
0x9f: {  	s4 =	ssub.s32 $0x0, s20;
	[sflag:s22] =	ssyncset.done $0x0  }
0xa0: {  	[sflag:s22] =	ssyncadd.s32 s4;
	_ =	sdelay $0x1  }
0xa1: {  	s23 =	simm.s32 $0x1B8B  }
0xa2: {  	_ =	swait.ge [sflag:s23], $0x1  }
0xa3: {  	[sflag:s23] =	ssyncset.done $0x0  }
0xa4: {  	s25 =	simm.s32 $0x1B8E;
	s24 =	sld [smem:$0x3FFE];
	[sflag:s23] =	ssyncadd.s32 $0xFFFFFFFF  }
0xa5: {  	s26 =	simm.s32 $execute0_lowered;
	[smem:$0x3FD2] =	sst s25  }
0xa6: {  	s5 =	sshll.u32 s26, $0x1;
	_ =	strace $0x80000046;
	[dreg:$0x1] =	wrdreg $0xFFFFFFFF  }
0xa7: {  	s28 =	simm.s32 $_size_execute0_lowered;
	s3 =	sadd.s32 s3, s5;
	[dreg:$0x0] =	wrdreg $0x0  }
0xa8: {  	s5 =	sshll.u32 s28, $0x1;
	[dreg:$0x2] =	wrdreg s3  }
0xa9: {  	[dreg:$0x3] =	wrdreg s5  }
0xaa: {  	[dreg:$0x4] =	wrdreg $0xC0  }
0xab: {  	_ =	task [dreg:s7], $0x5FFFF  }
0xac: {  	[dreg:$0x1] =	wrdreg $0xFFFFFFFF  }
0xad: {  	[dreg:$0x0] =	wrdreg $0x60  }
0xae: {  	[dreg:$0x2] =	wrdreg s2  }
0xaf: {  	[dreg:$0x3] =	wrdreg s24  }
0xb0: {  	[dreg:$0x4] =	wrdreg $0x9  }
0xb1: {  	_ =	task.clear_ibuf [dreg:s7], $0x5FFFF;
	_ =	strace $0x90000046  }
0xb2: {  	s29 =	simm.s32 $0x9;
	_ =	strace $0x80000048  }
0xb3: {  	_ =	swait.ge [sflag:s29], $0x1  }
0xb4: {  	[sflag:s29] =	ssyncadd.s32 $0xFFFFFFFF  }
0xb5: {  	_ =	strace $0x90000048  }
0xb6: {  	_ =	sfence  }
0xb7: {  	s30 =	sld [smem:$0x0];
	_ =	sdelay $0x2  }
0xb8: {  	s31 =	sshll.u32 s1, $0xD;
	s1 =	sshrl.u32 s1, $0x2  }
0xb9: {  	s3 =	sand.u32 $0x4000, s31;
	s1 =	sadd.s32 s1, s30  }
0xba: {  	s0 =	sor.u32 s3, s0;
	s1 =	sshll.u32 s1, $0x11  }
0xbb: {  	s0 =	sor.u32 s1, s0  }
0xbc: {  	s0 =	sadd.s32 $0x8F2B, s0  }
0xbd: {  	[sflag:s0] =	ssyncadd.remote.s32 $0x1  }
0xbe: {  	_ =	sfence.sel $0xFFFF  }
0xbf: {  	[dreg:$0x0] =	wrdreg $0xFFFFFFFF;
	(pc) =	sbr.abs _section_cstart, $3  }
0xc0: {  	[dreg:$0x1] =	wrdreg $0xFFFFFFFF  }
0xc1: {  	_ =	task.clear_ibuf [dreg:s7], $0x2FFFF;
	_ =	strace $0x9FFFFFFF  }
0xc2: {  	(tm) =	ssettm $0x7FFFFFFF  }
0xc3: {  	_ =	shalt  }
tec
execute0_lowered:
.L_overlay_start_1:
0x0: {  	(tag) =	ssettag $0x1  }
0x1: {  	s1 =	srdreg.scid  }
0x2: {  	s0 =	stileid.u32;
	s5 =	rddreg [dreg:$0x0]  }
0x3: {  	s7 =	rddreg [dreg:$0x1];
	s2 =	simm.s32 $0x0;
	s11 =	simm.s32 $0xC400  }
0x4: {  	s12 =	simm.s32 $0x1;
	s13 =	simm.s32 $0x40;
	s14 =	simm.s32 $0xE400  }
0x5: {  	s15 =	simm.s32 $0x10400;
	s16 =	simm.s32 $0x12400;
	s17 =	simm.s32 $0x14400  }
0x6: {  	s4 =	sand.u32 $0x1, s1;
	s3 =	smul.u32 $0x640000, s0;
	s1 =	rddreg [dreg:$0x2]  }
0x7: {  	s18 =	simm.s32 $0x3;
	s8 =	smul.u32 $0xC800, s0;
	[smem:$0x7FF] =	sst s2  }
0x8: {  	s20 =	sadd.s32 $0xA00, s7;
	s10 =	sshll.u32 s0, $0x1;
	s6 =	smul.u32 $0x320000, s4  }
0x9: {  	s9 =	smul.u32 $0x6400, s4;
	_ =	strace $0x80000047;
	s23 =	ssub.s32 $0x2, s4  }
0xa: {  	s4 =	sor.u32 s4, s10;
	s10 =	simm.s32 $0xA400;
	s25 =	sshrl.u32 s23, $0x1  }
0xb: {  	s4 =	smul.u32 $0xC80, s4;
	s3 =	sadd.s32 s6, s3;
	s19 =	sadd.s32 s9, s8  }
0xc: {  	s8 =	ssub.s32 s23, s25;
	s21 =	sshrl.u32 s3, $0x3;
	s6 =	sshll.u32 s19, $0x4  }
0xd: {  	s9 =	simm.s32 $0x8400;
	s22 =	sadd.s32 s21, s20;
	s6 =	sadd.s32 s6, s20  }
0xe: {  	s3 =	sadd.s32 $0xF42E00, s7;
	[dreg:$0x3] =	wrdreg s22;
	s24 =	sadd.s32 $0x3000, s6  }
0xf: {  	s4 =	sadd.s32 s5, s4;
	s26 =	sadd.s32 $0x2800, s6;
	[dreg:$0x4] =	wrdreg s24  }
0x10: {  	s5 =	smax.u32 s8, $0x1;
	s28 =	sadd.s32 $0x2000, s6;
	[dreg:$0x5] =	wrdreg s26  }
0x11: {  	s7 =	simm.s32 $0x80;
	s29 =	sadd.s32 $0x1800, s6;
	[dreg:$0x6] =	wrdreg s28  }
0x12: {  	s8 =	simm.s32 $0x6400;
	s30 =	sadd.s32 $0x1000, s6;
	[dreg:$0x7] =	wrdreg s29  }
0x13: {  	s19 =	simm.s32 $0x2;
	s31 =	sadd.s32 $0x800, s6;
	[dreg:$0x8] =	wrdreg s30  }
0x14: {  	s20 =	simm.s32 $0x4;
	s6 =	sadd.s32 $0x3800, s6;
	[dreg:$0x9] =	wrdreg s31  }
0x15: {  	s21 =	simm.s32 $0x0;
	[dreg:$0xa] =	wrdreg s6;
	s6 =	simm.s32 $0x5  }
.LBB2_1:
0x16: {  	[tilespmem:s2], [sflag:$0x5] =	stream.linear.gather [hbm4b:s4+s2], $0x6400, $0x38;
	[tilespmem:$0x16400] =	vst v63  }
0x17: {  	p0 =	por $0x1, $0x1;
	_ =	swait.ge [sflag:s6], $0x6400  }
0x18: {  	p0 =	por p0, p0;
	[sflag:s6] =	ssyncset.done $0x0  }
0x19: {  	s22 =	simm.s32 @!p0 $0x2;
	[sflag:s6] =	ssyncadd.s32 $0xFFFF9C00  }
0x1a: {  	_ =	swait.ge @!p0 [sflag:s22], $0x2000  }
0x1b: {  	[sflag:s22] =	ssyncset.done @!p0 $0x0  }
0x1c: {  	[sflag:s22] =	ssyncadd.s32 @!p0 $0xFFFFE000  }
0x1d: {  	_ =	swait.ge @!p0 [sflag:s22], $0x2000  }
0x1e: {  	[sflag:s22] =	ssyncset.done @!p0 $0x0  }
0x1f: {  	[sflag:s22] =	ssyncadd.s32 @!p0 $0xFFFFE000  }
0x20: {  	_ =	swait.ge @!p0 [sflag:s22], $0x2000  }
0x21: {  	[sflag:s22] =	ssyncset.done @!p0 $0x0  }
0x22: {  	[sflag:s22] =	ssyncadd.s32 @!p0 $0xFFFFE000  }
0x23: {  	_ =	swait.ge @!p0 [sflag:s22], $0x2000  }
0x24: {  	[sflag:s22] =	ssyncset.done @!p0 $0x0  }
0x25: {  	[sflag:s22] =	ssyncadd.s32 @!p0 $0xFFFFE000  }
0x26: {  	[tilespmem:s8], [sflag:$0x1] =	stream.indirect.gather [hbm4b:s3+s7], $0x40, s2, s7, $0xb8;
	[tilespmem:$0x16400] =	vst v63  }
0x27: {  	s26 =	simm.s32 $0x80  }
0x28: {  	[tilespmem:s9], [sflag:$0x1] =	stream.indirect.gather [hbm4b:s3+s7], $0x40, s26, s7, $0xb8;
	[tilespmem:$0x16400] =	vst v63  }
0x29: {  	s28 =	simm.s32 $0x100  }
0x2a: {  	[tilespmem:s10], [sflag:$0x1] =	stream.indirect.gather [hbm4b:s3+s7], $0x40, s28, s7, $0xb8;
	[tilespmem:$0x16400] =	vst v63  }
0x2b: {  	s29 =	simm.s32 $0x180;
	s23 =	simm.s32 @!p0 $0x4  }
0x2c: {  	[tilespmem:s11], [sflag:$0x1] =	stream.indirect.gather [hbm4b:s3+s7], $0x40, s29, s7, $0xb8;
	[tilespmem:$0x16400] =	vst v63  }
0x2d: {  	_ =	swait.ge @!p0 [sflag:s23], $0x2000  }
0x2e: {  	[sflag:s23] =	ssyncset.done @!p0 $0x0  }
0x2f: {  	[sflag:s23] =	ssyncadd.s32 @!p0 $0xFFFFE000  }
0x30: {  	_ =	swait.ge @!p0 [sflag:s23], $0x2000  }
0x31: {  	[sflag:s23] =	ssyncset.done @!p0 $0x0  }
0x32: {  	[sflag:s23] =	ssyncadd.s32 @!p0 $0xFFFFE000  }
0x33: {  	_ =	swait.ge @!p0 [sflag:s23], $0x2000  }
0x34: {  	[sflag:s23] =	ssyncset.done @!p0 $0x0  }
0x35: {  	[sflag:s23] =	ssyncadd.s32 @!p0 $0xFFFFE000  }
0x36: {  	_ =	swait.ge @!p0 [sflag:s23], $0x2000  }
0x37: {  	[sflag:s23] =	ssyncset.done @!p0 $0x0  }
0x38: {  	[sflag:s23] =	ssyncadd.s32 @!p0 $0xFFFFE000  }
0x39: {  	_ =	swait.ge [sflag:s12], $0x2000  }
0x3a: {  	[sflag:s12] =	ssyncset.done $0x0  }
0x3b: {  	[sflag:s12] =	ssyncadd.s32 $0xFFFFE000  }
0x3c: {  	_ =	swait.ge [sflag:s12], $0x2000  }
0x3d: {  	[sflag:s12] =	ssyncset.done $0x0  }
0x3e: {  	[sflag:s12] =	ssyncadd.s32 $0xFFFFE000  }
0x3f: {  	_ =	swait.ge [sflag:s12], $0x2000  }
0x40: {  	[sflag:s12] =	ssyncset.done $0x0  }
0x41: {  	[sflag:s12] =	ssyncadd.s32 $0xFFFFE000  }
0x42: {  	_ =	swait.ge [sflag:s12], $0x2000  }
0x43: {  	s30 =	rddreg [dreg:$0x3];
	[sflag:s12] =	ssyncset.done $0x0  }
0x44: {  	s31 =	rddreg [dreg:$0x9];
	[sflag:s12] =	ssyncadd.s32 $0xFFFFE000;
	s22 =	sadd.s32 $0x0, s30  }
0x45: {  	[hbm4b:s22+s13] =	stream.strided.scatter [tilespmem:s8], [sflag:$0x2], $0x2000, s7, s13, $0x38;
	[tilespmem:$0x16400] =	vst v63  }
0x46: {  	s24 =	rddreg [dreg:$0x8];
	s25 =	sadd.s32 $0x0, s31  }
0x47: {  	[hbm4b:s25+s13] =	stream.strided.scatter [tilespmem:s9], [sflag:$0x2], $0x2000, s7, s13, $0x38;
	[tilespmem:$0x16400] =	vst v63  }
0x48: {  	s26 =	rddreg [dreg:$0x7];
	s28 =	sadd.s32 $0x0, s24  }
0x49: {  	[hbm4b:s28+s13] =	stream.strided.scatter [tilespmem:s10], [sflag:$0x2], $0x2000, s7, s13, $0x38;
	[tilespmem:$0x16400] =	vst v63  }
0x4a: {  	s29 =	sadd.s32 $0x0, s26  }
0x4b: {  	[hbm4b:s29+s13] =	stream.strided.scatter [tilespmem:s11], [sflag:$0x2], $0x2000, s7, s13, $0x38;
	[tilespmem:$0x16400] =	vst v63  }
0x4c: {  	s30 =	simm.s32 $0x200  }
0x4d: {  	[tilespmem:s14], [sflag:$0x3] =	stream.indirect.gather [hbm4b:s3+s7], $0x40, s30, s7, $0xb8;
	[tilespmem:$0x16400] =	vst v63  }
0x4e: {  	s31 =	simm.s32 $0x280  }
0x4f: {  	[tilespmem:s15], [sflag:$0x3] =	stream.indirect.gather [hbm4b:s3+s7], $0x40, s31, s7, $0xb8;
	[tilespmem:$0x16400] =	vst v63  }
0x50: {  	s23 =	simm.s32 $0x300  }
0x51: {  	[tilespmem:s16], [sflag:$0x3] =	stream.indirect.gather [hbm4b:s3+s7], $0x40, s23, s7, $0xb8;
	[tilespmem:$0x16400] =	vst v63  }
0x52: {  	s24 =	simm.s32 $0x380  }
0x53: {  	[tilespmem:s17], [sflag:$0x3] =	stream.indirect.gather [hbm4b:s3+s7], $0x40, s24, s7, $0xb8;
	[tilespmem:$0x16400] =	vst v63  }
0x54: {  	_ =	swait.ge [sflag:s18], $0x2000  }
0x55: {  	[sflag:s18] =	ssyncset.done $0x0  }
0x56: {  	[sflag:s18] =	ssyncadd.s32 $0xFFFFE000  }
0x57: {  	_ =	swait.ge [sflag:s18], $0x2000  }
0x58: {  	[sflag:s18] =	ssyncset.done $0x0  }
0x59: {  	[sflag:s18] =	ssyncadd.s32 $0xFFFFE000  }
0x5a: {  	_ =	swait.ge [sflag:s18], $0x2000  }
0x5b: {  	[sflag:s18] =	ssyncset.done $0x0  }
0x5c: {  	[sflag:s18] =	ssyncadd.s32 $0xFFFFE000  }
0x5d: {  	p6 =	por $0x0, $0x0;
	_ =	swait.ge [sflag:s18], $0x2000  }
0x5e: {  	p0 =	por p6, p6;
	s25 =	rddreg [dreg:$0x6]  }
0x5f: {  	s23 =	simm.s32 $0x400;
	s26 =	rddreg [dreg:$0x5];
	[sflag:s18] =	ssyncset.done $0x0  }
0x60: {  	s28 =	rddreg [dreg:$0x4];
	[sflag:s18] =	ssyncadd.s32 $0xFFFFE000;
	s22 =	sadd.s32 $0x0, s25  }
0x61: {  	[hbm4b:s22+s13] =	stream.strided.scatter [tilespmem:s14], [sflag:$0x4], $0x2000, s7, s13, $0x38;
	[tilespmem:$0x16400] =	vst v63  }
0x62: {  	s24 =	simm.s32 $0x8000;
	s30 =	rddreg [dreg:$0xa];
	s29 =	sadd.s32 $0x0, s26  }
0x63: {  	[hbm4b:s29+s13] =	stream.strided.scatter [tilespmem:s15], [sflag:$0x4], $0x2000, s7, s13, $0x38;
	[tilespmem:$0x16400] =	vst v63  }
0x64: {  	s31 =	sadd.s32 $0x0, s28;
	s26 =	sadd.s32 $0x0, s30;
	s22 =	simm.s32 $0x4000  }
0x65: {  	[hbm4b:s31+s13] =	stream.strided.scatter [tilespmem:s16], [sflag:$0x4], $0x2000, s7, s13, $0x38;
	[tilespmem:$0x16400] =	vst v63  }
.LBB2_2:
0x66: {  	[hbm4b:s26+s13] =	stream.strided.scatter [tilespmem:s17], [sflag:$0x4], $0x2000, s7, s13, $0x38;
	[tilespmem:$0x16400] =	vst v63  }
0x67: {  	s26 =	simm.s32 @!p0 $0x2  }
0x68: {  	_ =	swait.ge @!p0 [sflag:s26], $0x2000  }
0x69: {  	[sflag:s26] =	ssyncset.done @!p0 $0x0  }
0x6a: {  	[sflag:s26] =	ssyncadd.s32 @!p0 $0xFFFFE000  }
0x6b: {  	_ =	swait.ge @!p0 [sflag:s26], $0x2000  }
0x6c: {  	[sflag:s26] =	ssyncset.done @!p0 $0x0  }
0x6d: {  	[sflag:s26] =	ssyncadd.s32 @!p0 $0xFFFFE000  }
0x6e: {  	_ =	swait.ge @!p0 [sflag:s26], $0x2000  }
0x6f: {  	[sflag:s26] =	ssyncset.done @!p0 $0x0  }
0x70: {  	[sflag:s26] =	ssyncadd.s32 @!p0 $0xFFFFE000  }
0x71: {  	_ =	swait.ge @!p0 [sflag:s26], $0x2000  }
0x72: {  	[sflag:s26] =	ssyncset.done @!p0 $0x0  }
0x73: {  	[sflag:s26] =	ssyncadd.s32 @!p0 $0xFFFFE000  }
0x74: {  	[tilespmem:s8], [sflag:$0x1] =	stream.indirect.gather [hbm4b:s3+s7], $0x40, s23, s7, $0xb8;
	[tilespmem:$0x16400] =	vst v63  }
0x75: {  	s29 =	sadd.s32 $0x80, s23  }
0x76: {  	[tilespmem:s9], [sflag:$0x1] =	stream.indirect.gather [hbm4b:s3+s7], $0x40, s29, s7, $0xb8;
	[tilespmem:$0x16400] =	vst v63  }
0x77: {  	s30 =	sadd.s32 $0x100, s23  }
0x78: {  	[tilespmem:s10], [sflag:$0x1] =	stream.indirect.gather [hbm4b:s3+s7], $0x40, s30, s7, $0xb8;
	[tilespmem:$0x16400] =	vst v63  }
0x79: {  	s31 =	sadd.s32 $0x180, s23;
	s28 =	simm.s32 @!p0 $0x4  }
0x7a: {  	[tilespmem:s11], [sflag:$0x1] =	stream.indirect.gather [hbm4b:s3+s7], $0x40, s31, s7, $0xb8;
	[tilespmem:$0x16400] =	vst v63  }
0x7b: {  	_ =	swait.ge @!p0 [sflag:s28], $0x2000  }
0x7c: {  	[sflag:s28] =	ssyncset.done @!p0 $0x0  }
0x7d: {  	[sflag:s28] =	ssyncadd.s32 @!p0 $0xFFFFE000  }
0x7e: {  	_ =	swait.ge @!p0 [sflag:s28], $0x2000  }
0x7f: {  	[sflag:s28] =	ssyncset.done @!p0 $0x0  }
0x80: {  	[sflag:s28] =	ssyncadd.s32 @!p0 $0xFFFFE000  }
0x81: {  	_ =	swait.ge @!p0 [sflag:s28], $0x2000  }
0x82: {  	[sflag:s28] =	ssyncset.done @!p0 $0x0  }
0x83: {  	[sflag:s28] =	ssyncadd.s32 @!p0 $0xFFFFE000  }
0x84: {  	_ =	swait.ge @!p0 [sflag:s28], $0x2000  }
0x85: {  	[sflag:s28] =	ssyncset.done @!p0 $0x0  }
0x86: {  	[sflag:s28] =	ssyncadd.s32 @!p0 $0xFFFFE000  }
0x87: {  	_ =	swait.ge [sflag:s12], $0x2000  }
0x88: {  	[sflag:s12] =	ssyncset.done $0x0  }
0x89: {  	[sflag:s12] =	ssyncadd.s32 $0xFFFFE000  }
0x8a: {  	_ =	swait.ge [sflag:s12], $0x2000  }
0x8b: {  	[sflag:s12] =	ssyncset.done $0x0  }
0x8c: {  	[sflag:s12] =	ssyncadd.s32 $0xFFFFE000  }
0x8d: {  	_ =	swait.ge [sflag:s12], $0x2000  }
0x8e: {  	[sflag:s12] =	ssyncset.done $0x0  }
0x8f: {  	[sflag:s12] =	ssyncadd.s32 $0xFFFFE000  }
0x90: {  	_ =	swait.ge [sflag:s12], $0x2000  }
0x91: {  	s29 =	rddreg [dreg:$0x3];
	[sflag:s12] =	ssyncset.done $0x0  }
0x92: {  	s30 =	rddreg [dreg:$0x9];
	[sflag:s12] =	ssyncadd.s32 $0xFFFFE000;
	s26 =	sadd.s32 s22, s29  }
0x93: {  	[hbm4b:s26+s13] =	stream.strided.scatter [tilespmem:s8], [sflag:$0x2], $0x2000, s7, s13, $0x38;
	[tilespmem:$0x16400] =	vst v63  }
0x94: {  	s29 =	rddreg [dreg:$0x8];
	s31 =	sadd.s32 s22, s30  }
0x95: {  	[hbm4b:s31+s13] =	stream.strided.scatter [tilespmem:s9], [sflag:$0x2], $0x2000, s7, s13, $0x38;
	[tilespmem:$0x16400] =	vst v63  }
0x96: {  	s30 =	rddreg [dreg:$0x7];
	s31 =	sadd.s32 s22, s29  }
0x97: {  	[hbm4b:s31+s13] =	stream.strided.scatter [tilespmem:s10], [sflag:$0x2], $0x2000, s7, s13, $0x38;
	[tilespmem:$0x16400] =	vst v63  }
0x98: {  	s29 =	sadd.s32 s22, s30  }
0x99: {  	[hbm4b:s29+s13] =	stream.strided.scatter [tilespmem:s11], [sflag:$0x2], $0x2000, s7, s13, $0x38;
	[tilespmem:$0x16400] =	vst v63  }
0x9a: {  	s30 =	sadd.s32 $0x200, s23  }
0x9b: {  	[tilespmem:s14], [sflag:$0x3] =	stream.indirect.gather [hbm4b:s3+s7], $0x40, s30, s7, $0xb8;
	[tilespmem:$0x16400] =	vst v63  }
0x9c: {  	s31 =	sadd.s32 $0x280, s23  }
0x9d: {  	[tilespmem:s15], [sflag:$0x3] =	stream.indirect.gather [hbm4b:s3+s7], $0x40, s31, s7, $0xb8;
	[tilespmem:$0x16400] =	vst v63  }
0x9e: {  	s28 =	sadd.s32 $0x300, s23  }
0x9f: {  	[tilespmem:s16], [sflag:$0x3] =	stream.indirect.gather [hbm4b:s3+s7], $0x40, s28, s7, $0xb8;
	[tilespmem:$0x16400] =	vst v63  }
0xa0: {  	s29 =	sadd.s32 $0x380, s23  }
0xa1: {  	[tilespmem:s17], [sflag:$0x3] =	stream.indirect.gather [hbm4b:s3+s7], $0x40, s29, s7, $0xb8;
	[tilespmem:$0x16400] =	vst v63  }
0xa2: {  	_ =	swait.ge [sflag:s18], $0x2000  }
0xa3: {  	[sflag:s18] =	ssyncset.done $0x0  }
0xa4: {  	[sflag:s18] =	ssyncadd.s32 $0xFFFFE000  }
0xa5: {  	_ =	swait.ge [sflag:s18], $0x2000  }
0xa6: {  	[sflag:s18] =	ssyncset.done $0x0  }
0xa7: {  	[sflag:s18] =	ssyncadd.s32 $0xFFFFE000  }
0xa8: {  	_ =	swait.ge [sflag:s18], $0x2000  }
0xa9: {  	[sflag:s18] =	ssyncset.done $0x0  }
0xaa: {  	s25 =	smov.u32 s24;
	[sflag:s18] =	ssyncadd.s32 $0xFFFFE000  }
0xab: {  	s24 =	sadd.s32 $0x4000, s24;
	p2 =	seq.s32 s25, $0x0;
	_ =	swait.ge [sflag:s18], $0x2000  }
0xac: {  	p1 =	sne.s32 s24, $0x64000;
	s30 =	rddreg [dreg:$0x6];
	[sflag:s18] =	ssyncset.done $0x0  }
0xad: {  	s28 =	rddreg [dreg:$0x5];
	[sflag:s18] =	ssyncadd.s32 $0xFFFFE000;
	s26 =	sadd.s32 s22, s30  }
0xae: {  	[hbm4b:s26+s13] =	stream.strided.scatter [tilespmem:s14], [sflag:$0x4], $0x2000, s7, s13, $0x38;
	[tilespmem:$0x16400] =	vst v63  }
.Ltmp0:
0xaf: {  	p0 =	por p2, p2;
	s31 =	rddreg [dreg:$0x4];
	(pc) =	sbr.rel @p1 .LBB2_2-.Ltmp0, $4  }
0xb0: {  	s23 =	sadd.s32 $0x400, s23;
	s30 =	rddreg [dreg:$0xa];
	s28 =	sadd.s32 s22, s28  }
0xb1: {  	[hbm4b:s28+s13] =	stream.strided.scatter [tilespmem:s15], [sflag:$0x4], $0x2000, s7, s13, $0x38;
	[tilespmem:$0x16400] =	vst v63  }
0xb2: {  	s31 =	sadd.s32 s22, s31;
	s26 =	sadd.s32 s22, s30;
	s22 =	smov.u32 s25  }
0xb3: {  	[hbm4b:s31+s13] =	stream.strided.scatter [tilespmem:s16], [sflag:$0x4], $0x2000, s7, s13, $0x38;
	[tilespmem:$0x16400] =	vst v63  }
0xb4: {  	[hbm4b:s26+s13] =	stream.strided.scatter [tilespmem:s17], [sflag:$0x4], $0x2000, s7, s13, $0x38;
	[tilespmem:$0x16400] =	vst v63  }
0xb5: {  	s24 =	simm.s32 @!p0 $0x2  }
0xb6: {  	_ =	swait.ge @!p0 [sflag:s24], $0x2000  }
0xb7: {  	[sflag:s24] =	ssyncset.done @!p0 $0x0  }
0xb8: {  	[sflag:s24] =	ssyncadd.s32 @!p0 $0xFFFFE000  }
0xb9: {  	_ =	swait.ge @!p0 [sflag:s24], $0x2000  }
0xba: {  	[sflag:s24] =	ssyncset.done @!p0 $0x0  }
0xbb: {  	[sflag:s24] =	ssyncadd.s32 @!p0 $0xFFFFE000  }
0xbc: {  	_ =	swait.ge @!p0 [sflag:s24], $0x2000  }
0xbd: {  	[sflag:s24] =	ssyncset.done @!p0 $0x0  }
0xbe: {  	[sflag:s24] =	ssyncadd.s32 @!p0 $0xFFFFE000  }
0xbf: {  	_ =	swait.ge @!p0 [sflag:s24], $0x2000  }
0xc0: {  	[sflag:s24] =	ssyncset.done @!p0 $0x0  }
0xc1: {  	[sflag:s24] =	ssyncadd.s32 @!p0 $0xFFFFE000  }
0xc2: {  	[tilespmem:s8], [sflag:$0x1] =	stream.indirect.gather [hbm4b:s3+s7], $0x40, s23, s7, $0xb8;
	[tilespmem:$0x16400] =	vst v63  }
0xc3: {  	s29 =	sadd.s32 $0x80, s23  }
0xc4: {  	[tilespmem:s9], [sflag:$0x1] =	stream.indirect.gather [hbm4b:s3+s7], $0x40, s29, s7, $0xb8;
	[tilespmem:$0x16400] =	vst v63  }
0xc5: {  	s30 =	sadd.s32 $0x100, s23  }
0xc6: {  	[tilespmem:s10], [sflag:$0x1] =	stream.indirect.gather [hbm4b:s3+s7], $0x40, s30, s7, $0xb8;
	[tilespmem:$0x16400] =	vst v63  }
0xc7: {  	s31 =	sadd.s32 $0x180, s23;
	s25 =	simm.s32 @!p0 $0x4  }
0xc8: {  	[tilespmem:s11], [sflag:$0x1] =	stream.indirect.gather [hbm4b:s3+s7], $0x40, s31, s7, $0xb8;
	[tilespmem:$0x16400] =	vst v63  }
0xc9: {  	_ =	swait.ge @!p0 [sflag:s25], $0x2000  }
0xca: {  	[sflag:s25] =	ssyncset.done @!p0 $0x0  }
0xcb: {  	[sflag:s25] =	ssyncadd.s32 @!p0 $0xFFFFE000  }
0xcc: {  	_ =	swait.ge @!p0 [sflag:s25], $0x2000  }
0xcd: {  	[sflag:s25] =	ssyncset.done @!p0 $0x0  }
0xce: {  	[sflag:s25] =	ssyncadd.s32 @!p0 $0xFFFFE000  }
0xcf: {  	_ =	swait.ge @!p0 [sflag:s25], $0x2000  }
0xd0: {  	[sflag:s25] =	ssyncset.done @!p0 $0x0  }
0xd1: {  	[sflag:s25] =	ssyncadd.s32 @!p0 $0xFFFFE000  }
0xd2: {  	_ =	swait.ge @!p0 [sflag:s25], $0x2000  }
0xd3: {  	[sflag:s25] =	ssyncset.done @!p0 $0x0  }
0xd4: {  	[sflag:s25] =	ssyncadd.s32 @!p0 $0xFFFFE000  }
0xd5: {  	_ =	swait.ge [sflag:s12], $0x2000  }
0xd6: {  	[sflag:s12] =	ssyncset.done $0x0  }
0xd7: {  	[sflag:s12] =	ssyncadd.s32 $0xFFFFE000  }
0xd8: {  	_ =	swait.ge [sflag:s12], $0x2000  }
0xd9: {  	[sflag:s12] =	ssyncset.done $0x0  }
0xda: {  	[sflag:s12] =	ssyncadd.s32 $0xFFFFE000  }
0xdb: {  	_ =	swait.ge [sflag:s12], $0x2000  }
0xdc: {  	[sflag:s12] =	ssyncset.done $0x0  }
0xdd: {  	[sflag:s12] =	ssyncadd.s32 $0xFFFFE000  }
0xde: {  	_ =	swait.ge [sflag:s12], $0x2000  }
0xdf: {  	s26 =	rddreg [dreg:$0x3];
	[sflag:s12] =	ssyncset.done $0x0  }
0xe0: {  	s28 =	rddreg [dreg:$0x9];
	[sflag:s12] =	ssyncadd.s32 $0xFFFFE000;
	s24 =	sadd.s32 s22, s26  }
0xe1: {  	[hbm4b:s24+s13] =	stream.strided.scatter [tilespmem:s8], [sflag:$0x2], $0x2000, s7, s13, $0x38;
	[tilespmem:$0x16400] =	vst v63  }
0xe2: {  	s29 =	rddreg [dreg:$0x8];
	s30 =	sadd.s32 s22, s28  }
0xe3: {  	[hbm4b:s30+s13] =	stream.strided.scatter [tilespmem:s9], [sflag:$0x2], $0x2000, s7, s13, $0x38;
	[tilespmem:$0x16400] =	vst v63  }
0xe4: {  	s31 =	rddreg [dreg:$0x7];
	s26 =	sadd.s32 s22, s29  }
0xe5: {  	[hbm4b:s26+s13] =	stream.strided.scatter [tilespmem:s10], [sflag:$0x2], $0x2000, s7, s13, $0x38;
	[tilespmem:$0x16400] =	vst v63  }
0xe6: {  	s28 =	sadd.s32 s22, s31  }
0xe7: {  	[hbm4b:s28+s13] =	stream.strided.scatter [tilespmem:s11], [sflag:$0x2], $0x2000, s7, s13, $0x38;
	[tilespmem:$0x16400] =	vst v63  }
0xe8: {  	s29 =	sadd.s32 $0x200, s23  }
0xe9: {  	[tilespmem:s14], [sflag:$0x3] =	stream.indirect.gather [hbm4b:s3+s7], $0x40, s29, s7, $0xb8;
	[tilespmem:$0x16400] =	vst v63  }
0xea: {  	s30 =	sadd.s32 $0x280, s23  }
0xeb: {  	[tilespmem:s15], [sflag:$0x3] =	stream.indirect.gather [hbm4b:s3+s7], $0x40, s30, s7, $0xb8;
	[tilespmem:$0x16400] =	vst v63  }
0xec: {  	s31 =	sadd.s32 $0x300, s23  }
0xed: {  	[tilespmem:s16], [sflag:$0x3] =	stream.indirect.gather [hbm4b:s3+s7], $0x40, s31, s7, $0xb8;
	[tilespmem:$0x16400] =	vst v63  }
0xee: {  	s24 =	sadd.s32 $0x380, s23  }
0xef: {  	[tilespmem:s17], [sflag:$0x3] =	stream.indirect.gather [hbm4b:s3+s7], $0x40, s24, s7, $0xb8;
	[tilespmem:$0x16400] =	vst v63  }
0xf0: {  	_ =	swait.ge [sflag:s18], $0x2000  }
0xf1: {  	[sflag:s18] =	ssyncset.done $0x0  }
0xf2: {  	[sflag:s18] =	ssyncadd.s32 $0xFFFFE000  }
0xf3: {  	_ =	swait.ge [sflag:s18], $0x2000  }
0xf4: {  	[sflag:s18] =	ssyncset.done $0x0  }
0xf5: {  	[sflag:s18] =	ssyncadd.s32 $0xFFFFE000  }
0xf6: {  	_ =	swait.ge [sflag:s18], $0x2000  }
0xf7: {  	[sflag:s18] =	ssyncset.done $0x0  }
0xf8: {  	[sflag:s18] =	ssyncadd.s32 $0xFFFFE000  }
0xf9: {  	_ =	swait.ge [sflag:s18], $0x2000  }
0xfa: {  	s25 =	rddreg [dreg:$0x6];
	[sflag:s18] =	ssyncset.done $0x0  }
0xfb: {  	s26 =	rddreg [dreg:$0x5];
	[sflag:s18] =	ssyncadd.s32 $0xFFFFE000;
	s23 =	sadd.s32 s22, s25  }
0xfc: {  	[hbm4b:s23+s13] =	stream.strided.scatter [tilespmem:s14], [sflag:$0x4], $0x2000, s7, s13, $0x38;
	[tilespmem:$0x16400] =	vst v63  }
0xfd: {  	s28 =	rddreg [dreg:$0x4];
	s24 =	sadd.s32 s22, s26  }
0xfe: {  	[hbm4b:s24+s13] =	stream.strided.scatter [tilespmem:s15], [sflag:$0x4], $0x2000, s7, s13, $0x38;
	[tilespmem:$0x16400] =	vst v63  }
0xff: {  	s29 =	rddreg [dreg:$0xa];
	s30 =	sadd.s32 s22, s28  }
0x100: {  	[hbm4b:s30+s13] =	stream.strided.scatter [tilespmem:s16], [sflag:$0x4], $0x2000, s7, s13, $0x38;
	[tilespmem:$0x16400] =	vst v63  }
0x101: {  	s31 =	sadd.s32 s22, s29  }
0x102: {  	[hbm4b:s31+s13] =	stream.strided.scatter [tilespmem:s17], [sflag:$0x4], $0x2000, s7, s13, $0x38;
	[tilespmem:$0x16400] =	vst v63  }
0x103: {  	_ =	swait.ge [sflag:s19], $0x2000  }
0x104: {  	[sflag:s19] =	ssyncset.done $0x0  }
0x105: {  	[sflag:s19] =	ssyncadd.s32 $0xFFFFE000  }
0x106: {  	_ =	swait.ge [sflag:s19], $0x2000  }
0x107: {  	[sflag:s19] =	ssyncset.done $0x0  }
0x108: {  	[sflag:s19] =	ssyncadd.s32 $0xFFFFE000  }
0x109: {  	_ =	swait.ge [sflag:s19], $0x2000  }
0x10a: {  	[sflag:s19] =	ssyncset.done $0x0  }
0x10b: {  	[sflag:s19] =	ssyncadd.s32 $0xFFFFE000  }
0x10c: {  	_ =	swait.ge [sflag:s19], $0x2000  }
0x10d: {  	[sflag:s19] =	ssyncset.done $0x0  }
0x10e: {  	[sflag:s19] =	ssyncadd.s32 $0xFFFFE000  }
0x10f: {  	_ =	swait.ge [sflag:s20], $0x2000  }
0x110: {  	[sflag:s20] =	ssyncset.done $0x0  }
0x111: {  	[sflag:s20] =	ssyncadd.s32 $0xFFFFE000  }
0x112: {  	_ =	swait.ge [sflag:s20], $0x2000  }
0x113: {  	[sflag:s20] =	ssyncset.done $0x0  }
0x114: {  	s21 =	sadd.s32 $0x1, s21;
	[sflag:s20] =	ssyncadd.s32 $0xFFFFE000  }
0x115: {  	p0 =	sne.s32 s21, s5;
	_ =	swait.ge [sflag:s20], $0x2000  }
.Ltmp1:
0x116: {  	[sflag:s20] =	ssyncset.done $0x0;
	(pc) =	sbr.rel @p0 .LBB2_1-.Ltmp1, $4  }
0x117: {  	[sflag:s20] =	ssyncadd.s32 $0xFFFFE000  }
0x118: {  	_ =	swait.ge [sflag:s20], $0x2000  }
0x119: {  	[sflag:s20] =	ssyncset.done $0x0  }
0x11a: {  	[sflag:s20] =	ssyncadd.s32 $0xFFFFE000  }
0x11b: {  	_ =	sfence.sel $0x180000  }
0x11c: {  	[bflag:$0x0] =	sbarrier.arrive $0xFFFF  }
0x11d: {  	p0 =	sne.s32 s0, $0x0;
	_ =	strace $0x90000047  }
0x11e: {  	s0 =	sadd.s32 @!p0 $0x100000, s1;
	[bflag:$0x2] =	sbarrier.arrive $0xFFFF  }
0x11f: {  	[sflag:s0] =	ssyncadd.tile.s32 @!p0 $0x1;
	_ =	shalt  }
.Lfunc_end2:
_tile_overlayer_lowered:
.L_overlay_start_2:
0x120: {  	(tag) =	ssettag $0x2  }
0x121: {  	s0 =	rddreg [dreg:$0x0];
	s2 =	stileid.u32  }
0x122: {  	s1 =	rddreg [dreg:$0x1];
	p0 =	sne.s32 s2, $0x0  }
0x123: {  	s3 =	rddreg [dreg:$0x2];
	[bflag:$0x3] =	sbarrier.arrive $0xFFFF;
	s2 =	simm.s32 @!p0 $0x1C05  }
0x124: {  	[timem:s3], [sflag:s2] =	dma.local @!p0 [hbm:s0], s1  }
0x125: {  	s0 =	simm.s32 @!p0 $0x5  }
0x126: {  	_ =	swait.ge @!p0 [sflag:s0], s1  }
0x127: {  	s1 =	ssub.s32 @!p0 $0x0, s1;
	[sflag:s0] =	ssyncset.done @!p0 $0x0  }
0x128: {  	[sflag:s0] =	ssyncadd.s32 @!p0 s1  }
0x129: {  	[bflag:$0x3] =	sbarrier.arrive $0xFFFF  }
0x12a: {  	_ =	shalt  }

// kernel: sparse-core-data-format-call.cloned.1.call-start
scs
called_computation_lowered:
.L_overlay_start_0:
0x0: {  	s2 =	sld [smem:$0x3FD9]  }
0x1: {  	s3 =	sld [smem:$0x3FFE];
	_ =	sdelay $0x1  }
0x2: {  	s1 =	srdreg.scid  }
0x3: {  	s0 =	sand.u32 $0x1, s1  }
0x4: {  	s18 =	sshll.u32 s0, $0xA;
	s2 =	sadd.s32 s3, s2  }
0x5: {  	s2 =	sadd.s32 s2, s18  }
0x6: {  	[smem:$0x3FC6] =	sst s2  }
0x7: {  	_ = 	snop  }
0x8: {  	s2 =	sld [smem:$0x3FD0];
	(tm) =	ssettm $0x1  }
0x9: {  	s19 =	sld [smem:$0x3FFB];
	_ =	sdelay $0x3  }
0xa: {  	_ =	strace s19  }
0xb: {  	s3 =	sld [smem:$0x3FFC];
	_ =	sdelay $0x3  }
0xc: {  	_ =	strace s3  }
0xd: {  	s3 =	sld [smem:$0x3FFD];
	_ =	sdelay $0x3  }
0xe: {  	_ =	strace s3  }
0xf: {  	_ =	strace $0x8FFFFFFF  }
0x10: {  	s20 =	sld [smem:$0x3FDB];
	_ =	sdelay $0x1  }
0x11: {  	s4 =	simm.s32 $_scs_section_size  }
0x12: {  	s5 =	simm.s32 $_size__tile_overlayer_lowered;
	s6 =	simm.s32 $_tile_overlayer_lowered  }
0x13: {  	s23 =	simm.s32 $0x1BFF;
	s22 =	sshll.u32 s6, $0x1;
	s3 =	sadd.s32 s4, s20  }
0x14: {  	s7 =	simm.s32 $0x0;
	s21 =	sshll.u32 s5, $0x1;
	s5 =	sadd.s32 s22, s3  }
0x15: {  	[timem:s7], [sflag:s23] =	dma.local [hbm:s5], s21  }
0x16: {  	_ =	swait.ge [sflag:s23], s21  }
0x17: {  	s4 =	ssub.s32 $0x0, s21;
	[sflag:s23] =	ssyncset.done $0x0  }
0x18: {  	[sflag:s23] =	ssyncadd.s32 s4;
	_ =	sdelay $0x1  }
0x19: {  	s24 =	simm.s32 $0x1B8B  }
0x1a: {  	_ =	swait.ge [sflag:s24], $0x1  }
0x1b: {  	[sflag:s24] =	ssyncset.done $0x0  }
0x1c: {  	s26 =	simm.s32 $0x1B8E;
	s25 =	sld [smem:$0x3FFE];
	[sflag:s24] =	ssyncadd.s32 $0xFFFFFFFF  }
0x1d: {  	s27 =	simm.s32 $execute0_lowered;
	[smem:$0x3FD2] =	sst s26  }
0x1e: {  	s5 =	sshll.u32 s27, $0x1;
	_ =	strace $0x80000049;
	[dreg:$0x1] =	wrdreg $0xFFFFFFFF  }
0x1f: {  	s28 =	simm.s32 $_size_execute0_lowered;
	s3 =	sadd.s32 s3, s5;
	[dreg:$0x0] =	wrdreg $0x0  }
0x20: {  	s5 =	sshll.u32 s28, $0x1;
	[dreg:$0x2] =	wrdreg s3  }
0x21: {  	[dreg:$0x3] =	wrdreg s5  }
0x22: {  	[dreg:$0x4] =	wrdreg $0xC0  }
0x23: {  	_ =	task [dreg:s7], $0x5FFFF  }
0x24: {  	[dreg:$0x1] =	wrdreg $0xFFFFFFFF  }
0x25: {  	[dreg:$0x0] =	wrdreg $0x60  }
0x26: {  	[dreg:$0x2] =	wrdreg s25  }
0x27: {  	[dreg:$0x3] =	wrdreg s2  }
0x28: {  	[dreg:$0x4] =	wrdreg $0x9  }
0x29: {  	_ =	task.clear_ibuf [dreg:s7], $0x5FFFF;
	_ =	strace $0x90000049  }
0x2a: {  	s29 =	simm.s32 $0x9;
	_ =	strace $0x8000004B  }
0x2b: {  	_ =	swait.ge [sflag:s29], $0x1  }
0x2c: {  	[sflag:s29] =	ssyncadd.s32 $0xFFFFFFFF  }
0x2d: {  	_ =	strace $0x9000004B  }
0x2e: {  	_ =	sfence  }
0x2f: {  	s30 =	sld [smem:$0x0];
	_ =	sdelay $0x2  }
0x30: {  	s31 =	sshll.u32 s1, $0xD;
	s1 =	sshrl.u32 s1, $0x2  }
0x31: {  	s3 =	sand.u32 $0x4000, s31;
	s1 =	sadd.s32 s1, s30  }
0x32: {  	s0 =	sor.u32 s3, s0;
	s1 =	sshll.u32 s1, $0x11  }
0x33: {  	s0 =	sor.u32 s1, s0  }
0x34: {  	s0 =	sadd.s32 $0x8F2B, s0  }
0x35: {  	[sflag:s0] =	ssyncadd.remote.s32 $0x1  }
0x36: {  	_ =	sfence.sel $0xFFFF  }
0x37: {  	[dreg:$0x0] =	wrdreg $0xFFFFFFFF;
	(pc) =	sbr.abs _section_cstart, $3  }
0x38: {  	[dreg:$0x1] =	wrdreg $0xFFFFFFFF  }
0x39: {  	_ =	task.clear_ibuf [dreg:s7], $0x2FFFF;
	_ =	strace $0x9FFFFFFF  }
0x3a: {  	(tm) =	ssettm $0x7FFFFFFF  }
0x3b: {  	_ =	shalt  }
tec
execute0_lowered:
.L_overlay_start_1:
0x0: {  	(tag) =	ssettag $0x1  }
0x1: {  	s0 =	srdreg.scid  }
0x2: {  	s1 =	sshll.u32 s0, $0x4  }
0x3: {  	s5 =	rddreg [dreg:$0x0];
	s0 =	stileid.u32;
	s1 =	sand.u32 $0x10, s1  }
0x4: {  	s3 =	rddreg [dreg:$0x1];
	s31 =	simm.s32 $0x2;
	s4 =	sor.u32 s0, s1  }
0x5: {  	s13 =	simm.s32 $0x0;
	s9 =	simm.s32 $0x400;
	s2 =	sshll.u32 s4, $0x7  }
0x6: {  	s10 =	simm.s32 $0x8000;
	s14 =	simm.s32 $0x0;
	s6 =	ssub.s32 $0x1000, s2  }
0x7: {  	s1 =	rddreg [dreg:$0x2];
	_ =	strace $0x8000004A;
	s7 =	sand.u32 $0xF80, s6  }
0x8: {  	s4 =	sshll.u32 s4, $0xB;
	p0 =	sne.s32 s7, $0x0;
	s7 =	simm.s32 $0x1  }
.Ltmp0:
0x9: {  	s6 =	sshrl.u32 s6, $0xC;
	s7 =	simm.s32 @!p0 $0x0;
	(pc) =	sbr.rel .LBB1_1-.Ltmp0, $4  }
0xa: {  	s8 =	sadd.s32 s4, s5;
	s4 =	simm.s32 $0x1;
	s30 =	sadd.s32 s7, s6  }
0xb: {  	s11 =	simm.s32 $0x0;
	[sflag:s4] =	ssyncpa.u1 $0x0;
	s5 =	smul.u32 $0x64, s30  }
0xc: {  	s12 =	simm.s32 $0x0;
	[sflag:s31] =	ssyncpa.u1 $0x0;
	p0 =	por $0x0, $0x0  }
0xd: {  	s6 =	sadd.s32 $0xA00, s8;
	s7 =	sadd.s32 $0x10A00, s8;
	s8 =	sor.u32 $0x1, s5  }
.LBB1_7:
0xe: {  	s15 =	sadd.s32 $0x2, s11  }
0xf: {  	p2 =	sgt.s32 s15, $0xC7  }
0x10: {  	s15 =	simm.s32 @p2 $0x0;
	p2 =	sne.s32 s12, s8  }
.Ltmp1:
0x11: {  	p1 =	slt.u32 s12, $0x2;
	(pc) =	sbr.rel @!p2 .LBB1_8-.Ltmp1, $4  }
0x12: {  	s13 =	simm.s32 @!p1 $0x2  }
0x13: {  	s16 =	sadd.s32 $0x1, s12;
	s14 =	smov.u32 s11;
	_ =	swait.ge @!p1 [sflag:s13], $0x4000  }
0x14: {  	p0 =	por !p0, !p0;
	s12 =	smov.u32 s16;
	[sflag:s13] =	ssyncset.done @!p1 $0x0  }
0x15: {  	s11 =	smov.u32 s15;
	[sflag:s13] =	ssyncadd.s32 @!p1 $0xFFFFC000;
	s13 =	smov.u32 s2  }
.LBB1_1:
0x16: {  	p1 =	sge.u32 s12, s5  }
0x17: {  	s15 =	sxor.u32 @!p1 $0xFFFFFFFF, s12  }
0x18: {  	s16 =	sshll.u32 @!p1 s11, $0x10;
	s18 =	simm.s32 @!p1 $0x40;
	s15 =	sshll.u32 @!p1 s15, $0xE  }
0x19: {  	s19 =	simm.s32 @!p1 $0x80;
	s17 =	sadd.s32 @!p1 s16, s6;
	s15 =	sand.u32 @!p1 $0x4000, s15  }
0x1a: {  	[tilespmem:s15], [sflag:$0x1] =	stream.strided.gather @!p1 [hbm4b:s17+s18], $0x2000, s19, s18, $0x38;
	[tilespmem:$0x10100] =	vst v63  }
0x1b: {  	s31 =	sadd.s32 $0xFFFFFFFF, s12;
	s16 =	sadd.s32 @!p1 s16, s7;
	s15 =	sor.u32 @!p1 $0x2000, s15  }
0x1c: {  	[tilespmem:s15], [sflag:$0x1] =	stream.strided.gather @!p1 [hbm4b:s16+s18], $0x2000, s19, s18, $0x38;
	[tilespmem:$0x10100] =	vst v63  }
0x1d: {  	p1 =	sge.u32 s31, s5  }
.Ltmp2:
0x1e: {  	_ = 	snop;
	(pc) =	sbr.rel @p1 .LBB1_7-.Ltmp2, $1  }
0x1f: {  	_ =	sdelay $0x3  }
0x20: {  	s15 =	simm.s32 $0x1;
	s17 =	sand.u32 $0x1, s12  }
0x21: {  	_ =	swait.ge [sflag:s4], $0x4000;
	s15 =	simm.s32 @!p0 $0x0;
	s17 =	smul.u32 $0x10200, s17  }
0x22: {  	p2 =	por $0x1, $0x1;
	[sflag:s4] =	ssyncset.done $0x0;
	s16 =	smul.u32 $0x10200, s15  }
0x23: {  	s18 =	sshll.u32 s15, $0x10;
	[sflag:s4] =	ssyncadd.s32 $0xFFFFC000;
	s30 =	sshrl.u32 s17, $0x2  }
0x24: {  	s31 =	sshrl.u32 s18, $0x2;
	s18 =	simm.s32 $0x0;
	s16 =	sshrl.u32 s16, $0x2  }
0x25: {  	s15 =	sor.u32 $0x8000, s30;
	s17 =	sadd.s32 $0x20, s31;
	s16 =	sor.u32 $0x8000, s16  }
.LBB1_3:
0x26: {  	s19 =	sshll.u32 s18, $0xD  }
0x27: {  	s19 =	sand.u32 $0x3FFFE000, s19  }
0x28: {  	s21 =	sadd.s32 s19, s17  }
0x29: {  	s31 =	smul.u32 $0x8100, s18;
	v3 =	vld [tilespmem:s21+$0x10]  }
0x2a: {  	v1 =	vld [tilespmem:s21+$0xFFFFFFF0]  }
0x2b: {  	s18 =	sshra.s32 s31, $0x2;
	v0 =	vld [tilespmem:s21+$0x0]  }
0x2c: {  	s18 =	sadd.s32 s18, s16;
	v2 =	vld [tilespmem:s21+$0xFFFFFFE0]  }
0x2d: {  	s19 =	sadd.s32 $0x0, s18  }
0x2e: {  	p1 =	por p2, p2;
	s20 =	simm.s32 $0x4;
	s21 =	sadd.s32 $0x40, s21;
	[tilespmem:s19+$0x1830 ss:$0x81] =	vst.msk $0xffff, v3  }
.LBB1_4:
0x2f: {  	v3 =	vld [tilespmem:s21+$0x10];
	p2 =	sne.s32 s20, $0x1FC;
	[tilespmem:s19+$0x810 ss:$0x81] =	vst.msk $0xffff, v1;
	s22 =	smov.u32 s20;
	s20 =	sadd.s32 $0x4, s20  }
.Ltmp3:
0x30: {  	v1 =	vld [tilespmem:s21+$0xFFFFFFF0];
	[tilespmem:s19+$0x1020 ss:$0x81] =	vst.msk $0xffff, v0;
	(pc) =	sbr.rel @p2 .LBB1_4-.Ltmp3, $4  }
0x31: {  	v0 =	vld [tilespmem:s21+$0x0];
	[tilespmem:s19+$0x0 ss:$0x81] =	vst.msk $0xffff, v2  }
0x32: {  	s19 =	sshra.s32 s22, $0x2;
	v2 =	vld [tilespmem:s21+$0xFFFFFFE0]  }
0x33: {  	s19 =	sadd.s32 s19, s18  }
0x34: {  	s21 =	sadd.s32 $0x40, s21;
	[tilespmem:s19+$0x1830 ss:$0x81] =	vst.msk $0xffff, v3  }
.Ltmp4:
0x35: {  	(pc) =	sbr.rel @p1 .LBB1_3-.Ltmp4, $4  }
0x36: {  	_ = 	snop  }
0x37: {  	[tilespmem:s19+$0x810 ss:$0x81] =	vst.msk $0xffff, v1  }
0x38: {  	[tilespmem:s19+$0x1020 ss:$0x81] =	vst.msk $0xffff, v0  }
0x39: {  	s18 =	simm.s32 $0x1;
	p2 =	por $0x0, $0x0;
	[tilespmem:s19+$0x0 ss:$0x81] =	vst.msk $0xffff, v2  }
.Ltmp5:
0x3a: {  	(pc) =	sbr.rel .LBB1_7-.Ltmp5, $4  }
0x3b: {  	s14 =	sshll.u32 s14, $0xF  }
0x3c: {  	s14 =	sadd.s32 s3, s14  }
0x3d: {  	s13 =	sadd.s32 s13, s14  }
0x3e: {  	[hbm4b:s13+s9] =	stream.strided.scatter [tilespmem:s15], [sflag:$0x2], $0x4000, s10, s9, $0x20;
	[tilespmem:$0x10100] =	vst v63  }
.LBB1_8:
0x3f: {  	_ =	sfence.sel $0x180000  }
0x40: {  	s2 =	simm.s32 $0x1;
	[bflag:$0x0] =	sbarrier.arrive $0xFFFF  }
0x41: {  	s31 =	simm.s32 $0x2;
	[sflag:s2] =	ssyncpa.u1 $0x1  }
0x42: {  	[sflag:s31] =	ssyncpa.u1 $0x1  }
0x43: {  	p0 =	sne.s32 s0, $0x0;
	_ =	strace $0x9000004A  }
0x44: {  	s0 =	sadd.s32 @!p0 $0x100000, s1;
	[bflag:$0x2] =	sbarrier.arrive $0xFFFF  }
0x45: {  	[sflag:s0] =	ssyncadd.tile.s32 @!p0 $0x1;
	_ =	shalt  }
.Lfunc_end1:
_tile_overlayer_lowered:
.L_overlay_start_2:
0x46: {  	(tag) =	ssettag $0x2  }
0x47: {  	s0 =	rddreg [dreg:$0x0];
	s2 =	stileid.u32  }
0x48: {  	s1 =	rddreg [dreg:$0x1];
	p0 =	sne.s32 s2, $0x0  }
0x49: {  	s3 =	rddreg [dreg:$0x2];
	[bflag:$0x3] =	sbarrier.arrive $0xFFFF;
	s2 =	simm.s32 @!p0 $0x1C01  }
0x4a: {  	[timem:s3], [sflag:s2] =	dma.local @!p0 [hbm:s0], s1  }
0x4b: {  	s0 =	simm.s32 @!p0 $0x1  }
0x4c: {  	_ =	swait.ge @!p0 [sflag:s0], s1  }
0x4d: {  	s1 =	ssub.s32 @!p0 $0x0, s1;
	[sflag:s0] =	ssyncset.done @!p0 $0x0  }
0x4e: {  	[sflag:s0] =	ssyncadd.s32 @!p0 s1  }
0x4f: {  	[bflag:$0x3] =	sbarrier.arrive $0xFFFF  }
0x50: {  	_ =	shalt  }

</sc_bundles>
